<compile_context>
chip_gen: v7x
topology: tpu7x:2x2x1
jax: 0.10.2.dev20260603
libtpu: 0.0.44.dev20260713+nightly
codegen_flags: <defaults>
</compile_context>

<pallas_src>
import jax
import jax.numpy as jnp
from jax import lax
from jax.experimental import pallas as pl
from jax.experimental.pallas import tpu as pltpu
from jax.experimental.pallas import tpu_sc as plsc

NC = 2
NS = 16
NW = NC * NS
CHUNK = 128
LANES = 16


def _mesh():
  return plsc.VectorSubcoreMesh(
      core_axis_name="c", subcore_axis_name="s", num_cores=NC,
      num_subcores=NS)


def _sc_aggregate(n_pad, e_pad, d):
  e_per_tile = e_pad // NW
  n_chunks = e_per_tile // CHUNK
  rows_per_tile = n_pad // NS

  def body(y_hbm, src_hbm, dst_hbm, agg_out, src_v, dst_v, rows_v, agg_sh,
           sem):
    cid = lax.axis_index("c")
    sid = lax.axis_index("s")

    def zrow(i, _):
      def zcol(j, _):
        rows_v[i, pl.ds(j * LANES, LANES)] = jnp.zeros((LANES,), jnp.float32)
        return 0
      return lax.fori_loop(0, d // LANES, zcol, 0)
    lax.fori_loop(0, CHUNK, zrow, 0)

    r0 = sid * rows_per_tile
    n_zcopies = rows_per_tile // CHUNK
    for k in range(n_zcopies):
      pltpu.sync_copy(rows_v, agg_sh.at[pl.ds(r0 + k * CHUNK, CHUNK)])
    rem = rows_per_tile - n_zcopies * CHUNK
    if rem:
      pltpu.sync_copy(rows_v.at[pl.ds(0, rem)],
                      agg_sh.at[pl.ds(r0 + n_zcopies * CHUNK, rem)])

    plsc.subcore_barrier()

    wid = cid * NS + sid
    e0 = pl.multiple_of(wid * e_per_tile, CHUNK)

    def step(t, _):
      base = pl.multiple_of(e0 + t * CHUNK, CHUNK)
      pltpu.sync_copy(src_hbm.at[pl.ds(base, CHUNK)], src_v)
      pltpu.sync_copy(dst_hbm.at[pl.ds(base, CHUNK)], dst_v)
      pltpu.async_copy(y_hbm.at[src_v], rows_v, sem).wait()
      pltpu.sync_copy(rows_v, agg_sh.at[dst_v], add=True)
      return 0
    lax.fori_loop(0, n_chunks, step, 0)

    plsc.subcore_barrier()

    pltpu.sync_copy(agg_sh.at[pl.ds(r0, rows_per_tile)],
                    agg_out.at[cid, pl.ds(r0, rows_per_tile)])

  return pl.kernel(
      body,
      out_type=[jax.ShapeDtypeStruct((NC, n_pad, d), jnp.float32)],
      mesh=_mesh(),
      scratch_types=[
          pltpu.VMEM((CHUNK,), jnp.int32),
          pltpu.VMEM((CHUNK,), jnp.int32),
          pltpu.VMEM((CHUNK, d), jnp.float32),
          pltpu.VMEM_SHARED((n_pad, d), jnp.float32),
          pltpu.SemaphoreType.DMA,
      ])


def _sc_degree(n_pad, e_pad, d):
  e_per_tile = e_pad // NW
  n_chunks = e_per_tile // CHUNK
  rows_per_tile = n_pad // NS

  def body(dst_hbm, deg_out, dst_v, rows_v, deg_sh):
    cid = lax.axis_index("c")
    sid = lax.axis_index("s")

    def fill(val):
      def frow(i, _):
        def fcol(j, _):
          rows_v[i, pl.ds(j * LANES, LANES)] = jnp.full(
              (LANES,), val, jnp.float32)
          return 0
        return lax.fori_loop(0, d // LANES, fcol, 0)
      lax.fori_loop(0, CHUNK, frow, 0)

    fill(0.0)
    r0 = sid * rows_per_tile
    n_zcopies = rows_per_tile // CHUNK
    for k in range(n_zcopies):
      pltpu.sync_copy(rows_v, deg_sh.at[pl.ds(r0 + k * CHUNK, CHUNK)])
    rem = rows_per_tile - n_zcopies * CHUNK
    if rem:
      pltpu.sync_copy(rows_v.at[pl.ds(0, rem)],
                      deg_sh.at[pl.ds(r0 + n_zcopies * CHUNK, rem)])

    plsc.subcore_barrier()

    fill(1.0)
    wid = cid * NS + sid
    e0 = pl.multiple_of(wid * e_per_tile, CHUNK)

    def step(t, _):
      base = pl.multiple_of(e0 + t * CHUNK, CHUNK)
      pltpu.sync_copy(dst_hbm.at[pl.ds(base, CHUNK)], dst_v)
      pltpu.sync_copy(rows_v, deg_sh.at[dst_v], add=True)
      return 0
    lax.fori_loop(0, n_chunks, step, 0)

    plsc.subcore_barrier()

    pltpu.sync_copy(deg_sh.at[pl.ds(r0, rows_per_tile)],
                    deg_out.at[cid, pl.ds(r0, rows_per_tile)])

  return pl.kernel(
      body,
      out_type=[jax.ShapeDtypeStruct((NC, n_pad, d), jnp.float32)],
      mesh=_mesh(),
      scratch_types=[
          pltpu.VMEM((CHUNK,), jnp.int32),
          pltpu.VMEM((CHUNK, d), jnp.float32),
          pltpu.VMEM_SHARED((n_pad, d), jnp.float32),
      ])


def _dot(a, b):
  return jnp.dot(a, b, preferred_element_type=jnp.float32,
                 precision=lax.Precision.HIGHEST)


def _tc_pre(x_ref, wn1_ref, ws1_ref, b1_ref, y1_ref, s1_ref):
  x = x_ref[...]
  y1_ref[...] = _dot(x, wn1_ref[...])
  s1_ref[...] = _dot(x, ws1_ref[...]) + b1_ref[...]


def _tc_mid(s1_ref, agg_ref, deg_ref, wn2_ref, wp_ref, h_ref, y2_ref):
  agg = agg_ref[0] + agg_ref[1]
  rdeg = 1.0 / jnp.maximum(deg_ref[0] + deg_ref[1], 1.0)
  h = jnp.maximum(s1_ref[...] + agg * rdeg, 0.0)
  h_ref[...] = h
  y2_ref[...] = _dot(_dot(h, wn2_ref[...]), wp_ref[...])


def _tc_post(h_ref, agg_ref, deg_ref, ws2_ref, wp_ref, b2p_ref, out_ref):
  agg = agg_ref[0] + agg_ref[1]
  rdeg = 1.0 / jnp.maximum(deg_ref[0] + deg_ref[1], 1.0)
  out_ref[...] = (_dot(_dot(h_ref[...], ws2_ref[...]), wp_ref[...])
                  + agg * rdeg + b2p_ref[...])


def kernel(x, edge_index, W_self1, W_neigh1, b1, W_self2, W_neigh2, b2,
           W_proj, b_proj):
  n, d = x.shape
  e = edge_index.shape[1]

  n_pad = ((n + 1 + NS * 8 - 1) // (NS * 8)) * (NS * 8)
  egran = NW * CHUNK * 2
  e_pad = ((e + egran - 1) // egran) * egran

  src = edge_index[0].astype(jnp.int32)
  dst = edge_index[1].astype(jnp.int32)
  pad = e_pad - e
  if pad:
    src = jnp.concatenate([src, jnp.zeros((pad,), jnp.int32)])
    dst = jnp.concatenate([dst, jnp.full((pad,), n, jnp.int32)])

  blk = 2000
  grid = (n // blk,)
  row_spec = pl.BlockSpec((blk, d), lambda i: (i, 0))
  w_spec = pl.BlockSpec((d, d), lambda i: (0, 0))
  b_spec = pl.BlockSpec((1, d), lambda i: (0, 0))
  agg_spec = pl.BlockSpec((NC, blk, d), lambda i: (0, i, 0))
  row_out = jax.ShapeDtypeStruct((n, d), jnp.float32)

  y1, s1 = pl.pallas_call(
      _tc_pre, grid=grid,
      in_specs=[row_spec, w_spec, w_spec, b_spec],
      out_specs=[row_spec, row_spec],
      out_shape=[row_out, row_out],
  )(x, W_neigh1, W_self1, b1.reshape(1, d))

  sc_agg = _sc_aggregate(n_pad, e_pad, d)
  sc_deg = _sc_degree(n_pad, e_pad, d)
  (deg,) = sc_deg(dst)
  (agg1,) = sc_agg(y1, src, dst)

  h, y2 = pl.pallas_call(
      _tc_mid, grid=grid,
      in_specs=[row_spec, agg_spec, agg_spec, w_spec, w_spec],
      out_specs=[row_spec, row_spec],
      out_shape=[row_out, row_out],
  )(s1, agg1, deg, W_neigh2, W_proj)

  (agg2,) = sc_agg(y2, src, dst)

  b2p = (b2 @ W_proj + b_proj).reshape(1, d)

  out = pl.pallas_call(
      _tc_post, grid=grid,
      in_specs=[row_spec, agg_spec, agg_spec, w_spec, w_spec, b_spec],
      out_specs=row_spec,
      out_shape=row_out,
  )(h, agg2, deg, W_self2, W_proj, b2p)

  return out

# --- scband reference (transcript-rebuilt; emitter-appended) ---
"""Pipeline reference for scband-surrogate-embedding-model-76965813944668 (READ-ONLY COPY).

The authoritative reference and input builder live on the scoring server;
editing this copy changes nothing except your own understanding.
"""

import jax, jax.numpy as jnp
import numpy as np

N_NODES = 10000
N_EDGES = 320000
D_FEAT = 128
H_FEATS = 128
OUT_DIM = 128


def setup_inputs(seed: int = 0) -> dict:
    key = jax.random.key(seed)
    ks = jax.random.split(key, 10)
    x = jax.random.normal(ks[0], (N_NODES, D_FEAT), dtype=jnp.float32)
    edge_index = jax.random.randint(ks[1], (2, N_EDGES), 0, N_NODES, dtype=jnp.int64)
    s = 1.0 / np.sqrt(D_FEAT)
    W_self1 = jax.random.uniform(ks[2], (D_FEAT, H_FEATS), minval=-s, maxval=s, dtype=jnp.float32)
    W_neigh1 = jax.random.uniform(ks[3], (D_FEAT, H_FEATS), minval=-s, maxval=s, dtype=jnp.float32)
    b1 = jnp.zeros((H_FEATS,), dtype=jnp.float32)
    s2 = 1.0 / np.sqrt(H_FEATS)
    W_self2 = jax.random.uniform(ks[4], (H_FEATS, H_FEATS), minval=-s2, maxval=s2, dtype=jnp.float32)
    W_neigh2 = jax.random.uniform(ks[5], (H_FEATS, H_FEATS), minval=-s2, maxval=s2, dtype=jnp.float32)
    b2 = jnp.zeros((H_FEATS,), dtype=jnp.float32)
    W_proj = jax.random.uniform(ks[6], (H_FEATS, OUT_DIM), minval=-s2, maxval=s2, dtype=jnp.float32)
    b_proj = jnp.zeros((OUT_DIM,), dtype=jnp.float32)
    return {"x": x, "edge_index": edge_index, "W_self1": W_self1, "W_neigh1": W_neigh1, "b1": b1,
            "W_self2": W_self2, "W_neigh2": W_neigh2, "b2": b2, "W_proj": W_proj, "b_proj": b_proj}


def _sage_layer(h, src, dst, n_nodes, Ws, Wn, b):
    msgs = jnp.take(h, src, axis=0)
    agg = jax.ops.segment_sum(msgs, dst, num_segments=n_nodes)
    deg = jax.ops.segment_sum(jnp.ones((src.shape[0],), dtype=h.dtype), dst, num_segments=n_nodes)
    mean = agg / jnp.clip(deg, 1.0)[:, None]
    return h @ Ws + mean @ Wn + b


def reference(x, edge_index, W_self1, W_neigh1, b1, W_self2, W_neigh2, b2, W_proj, b_proj):
    n_nodes = x.shape[0]
    src = edge_index[0]
    dst = edge_index[1]
    h = _sage_layer(x, src, dst, n_nodes, W_self1, W_neigh1, b1)
    h = jax.nn.relu(h)
    embeddings = _sage_layer(h, src, dst, n_nodes, W_self2, W_neigh2, b2)
    target_embeddings = embeddings @ W_proj + b_proj
    return target_embeddings

if __name__ == "__main__":
    import jax
    _d = setup_inputs()
    print(jax.jit(kernel)(*tuple(_d.values())))

</pallas_src>

<mosaic_0001>
#map = affine_map<(d0, d1) -> (0, 0)>
#map1 = affine_map<(d0, d1) -> (0)>
#map2 = affine_map<(d0, d1) -> (0, 0, 0)>
module attributes {stable_mosaic.version = 14 : i64} {
  func.func @body(%arg0: i32, %arg1: i32, %arg2: memref<10000x128xf32, #tpu.memory_space<hbm>>, %arg3: memref<327680xi32, #tpu.memory_space<hbm>>, %arg4: memref<327680xi32, #tpu.memory_space<hbm>>, %arg5: memref<2x10112x128xf32, #tpu.memory_space<hbm>>, %arg6: memref<128xi32, #tpu.memory_space<vmem>>, %arg7: memref<128xi32, #tpu.memory_space<vmem>>, %arg8: memref<128x128xf32, #tpu.memory_space<vmem>>, %arg9: memref<10112x128xf32, #tpu.memory_space<vmem_shared>>, %arg10: memref<!tpu.dma_semaphore, #tpu.memory_space<semaphore_mem>>) attributes {dimension_semantics = [#tpu.dimension_semantics<core_parallel>, #tpu.dimension_semantics<subcore_parallel>], iteration_bounds = array<i64: 2, 16>, scalar_prefetch = 0 : i64, scratch_operands = 5 : i64, tpu.core_type = #tpu.core_type<sc_vector_subcore>, window_params = [{transform_indices = #map}, {transform_indices = #map1}, {transform_indices = #map1}, {transform_indices = #map2}]} {
    %scan3A = arith.constant 0 : i32
    %scan3A_0 = arith.constant 0 : i32
    %scan3A_1 = arith.constant 128 : i32
    %scan3A_2 = arith.addi %scan3A_0, %scan3A_1 : i32
    %scan3A_3 = arith.constant 1 : i32
    %scan3A_4 = scf.for %scan3A_29 = %scan3A_0 to %scan3A_2 step %scan3A_3 iter_args(%scan3A_30 = %scan3A) -> (i32)  : i32 {
      %scan3A_31 = arith.constant 0 : i32
      %scan3A_32 = arith.constant 0 : i32
      %scan3A_33 = arith.constant 8 : i32
      %scan3A_34 = arith.addi %scan3A_32, %scan3A_33 : i32
      %scan3A_35 = arith.constant 1 : i32
      %scan3A_36 = scf.for %scan3A_38 = %scan3A_32 to %scan3A_34 step %scan3A_35 iter_args(%scan3A_39 = %scan3A_31) -> (i32)  : i32 {
        %broadcast_in_dim3A = arith.constant 0.000000e+00 : f32
        %broadcast_in_dim3A_40 = vector.broadcast %broadcast_in_dim3A : f32 to vector<16xf32>
        %mul3A_41 = arith.constant 16 : i32
        %mul3A_42 = arith.muli %scan3A_38, %mul3A_41 : i32
        %swap3A = arith.index_cast %scan3A_29 : i32 to index
        %swap3A_43 = arith.index_cast %mul3A_42 : i32 to index
        %swap3A_44 = tpu.vector_load %arg8[%swap3A, %swap3A_43] {strides = array<i32>} : memref<128x128xf32, #tpu.memory_space<vmem>>, vector<1x16xf32>,
        %swap3A_45 = vector.shape_cast %swap3A_44 : vector<1x16xf32> to vector<16xf32>
        %swap3A_46 = vector.shape_cast %broadcast_in_dim3A_40 : vector<16xf32> to vector<1x16xf32>
        tpu.vector_store %arg8[%swap3A, %swap3A_43], %swap3A_46 {strides = array<i32>} : memref<128x128xf32, #tpu.memory_space<vmem>>, vector<1x16xf32>,
        %scan3A_47 = arith.constant 0 : i32
        scf.yield %scan3A_47 : i32
      }
      %scan3A_37 = arith.constant 8 : i32
      scf.yield %scan3A_36 : i32
    }
    %scan3A_5 = arith.constant 128 : i32
    %mul3A = arith.constant 632 : i32
    %mul3A_6 = arith.muli %arg1, %mul3A : i32
    %add3A = arith.constant 0 : i32
    %add3A_7 = arith.addi %mul3A_6, %add3A : i32
    "tpu.region"() ({
      %run_scoped3A = tpu.sem_alloc : memref<!tpu.dma_semaphore, #tpu.memory_space<semaphore_mem>>
      %dma_start3A = arith.constant 0 : i32
      %dma_start3A_29 = tpu.memref_slice %arg9[%add3A_7, %dma_start3A] : memref<10112x128xf32, #tpu.memory_space<vmem_shared>> -> memref<128x128xf32, #tpu.memory_space<vmem_shared>>
      %dma_start3A_30 = arith.constant 0 : i32
      %dma_start3A_31 = tpu.memref_slice %arg9[%add3A_7, %dma_start3A_30] : memref<10112x128xf32, #tpu.memory_space<vmem_shared>> -> memref<128x128xf32, #tpu.memory_space<vmem_shared>>
      tpu.enqueue_dma source(%arg8 : memref<128x128xf32, #tpu.memory_space<vmem>>) target(%dma_start3A_31 : memref<128x128xf32, #tpu.memory_space<vmem_shared>>) target_semaphore(%run_scoped3A : memref<!tpu.dma_semaphore, #tpu.memory_space<semaphore_mem>>)
      %dma_wait3A = arith.constant 0 : i32
      %dma_wait3A_32 = tpu.memref_slice %arg9[%add3A_7, %dma_wait3A] : memref<10112x128xf32, #tpu.memory_space<vmem_shared>> -> memref<128x128xf32, #tpu.memory_space<vmem_shared>>
      %dma_wait3A_33 = arith.constant 0 : i32
      %dma_wait3A_34 = tpu.memref_slice %arg9[%add3A_7, %dma_wait3A_33] : memref<10112x128xf32, #tpu.memory_space<vmem_shared>> -> memref<128x128xf32, #tpu.memory_space<vmem_shared>>
      tpu.wait_dma2 semaphore(%run_scoped3A : memref<!tpu.dma_semaphore, #tpu.memory_space<semaphore_mem>>) src(%arg8 : memref<128x128xf32, #tpu.memory_space<vmem>>) dst(%dma_wait3A_34 : memref<128x128xf32, #tpu.memory_space<vmem_shared>>)
      tpu.yield
    }) : () -> ()
    %add3A_8 = arith.constant 128 : i32
    %add3A_9 = arith.addi %mul3A_6, %add3A_8 : i32
    "tpu.region"() ({
      %run_scoped3A = tpu.sem_alloc : memref<!tpu.dma_semaphore, #tpu.memory_space<semaphore_mem>>
      %dma_start3A = arith.constant 0 : i32
      %dma_start3A_29 = tpu.memref_slice %arg9[%add3A_9, %dma_start3A] : memref<10112x128xf32, #tpu.memory_space<vmem_shared>> -> memref<128x128xf32, #tpu.memory_space<vmem_shared>>
      %dma_start3A_30 = arith.constant 0 : i32
      %dma_start3A_31 = tpu.memref_slice %arg9[%add3A_9, %dma_start3A_30] : memref<10112x128xf32, #tpu.memory_space<vmem_shared>> -> memref<128x128xf32, #tpu.memory_space<vmem_shared>>
      tpu.enqueue_dma source(%arg8 : memref<128x128xf32, #tpu.memory_space<vmem>>) target(%dma_start3A_31 : memref<128x128xf32, #tpu.memory_space<vmem_shared>>) target_semaphore(%run_scoped3A : memref<!tpu.dma_semaphore, #tpu.memory_space<semaphore_mem>>)
      %dma_wait3A = arith.constant 0 : i32
      %dma_wait3A_32 = tpu.memref_slice %arg9[%add3A_9, %dma_wait3A] : memref<10112x128xf32, #tpu.memory_space<vmem_shared>> -> memref<128x128xf32, #tpu.memory_space<vmem_shared>>
      %dma_wait3A_33 = arith.constant 0 : i32
      %dma_wait3A_34 = tpu.memref_slice %arg9[%add3A_9, %dma_wait3A_33] : memref<10112x128xf32, #tpu.memory_space<vmem_shared>> -> memref<128x128xf32, #tpu.memory_space<vmem_shared>>
      tpu.wait_dma2 semaphore(%run_scoped3A : memref<!tpu.dma_semaphore, #tpu.memory_space<semaphore_mem>>) src(%arg8 : memref<128x128xf32, #tpu.memory_space<vmem>>) dst(%dma_wait3A_34 : memref<128x128xf32, #tpu.memory_space<vmem_shared>>)
      tpu.yield
    }) : () -> ()
    %add3A_10 = arith.constant 256 : i32
    %add3A_11 = arith.addi %mul3A_6, %add3A_10 : i32
    "tpu.region"() ({
      %run_scoped3A = tpu.sem_alloc : memref<!tpu.dma_semaphore, #tpu.memory_space<semaphore_mem>>
      %dma_start3A = arith.constant 0 : i32
      %dma_start3A_29 = tpu.memref_slice %arg9[%add3A_11, %dma_start3A] : memref<10112x128xf32, #tpu.memory_space<vmem_shared>> -> memref<128x128xf32, #tpu.memory_space<vmem_shared>>
      %dma_start3A_30 = arith.constant 0 : i32
      %dma_start3A_31 = tpu.memref_slice %arg9[%add3A_11, %dma_start3A_30] : memref<10112x128xf32, #tpu.memory_space<vmem_shared>> -> memref<128x128xf32, #tpu.memory_space<vmem_shared>>
      tpu.enqueue_dma source(%arg8 : memref<128x128xf32, #tpu.memory_space<vmem>>) target(%dma_start3A_31 : memref<128x128xf32, #tpu.memory_space<vmem_shared>>) target_semaphore(%run_scoped3A : memref<!tpu.dma_semaphore, #tpu.memory_space<semaphore_mem>>)
      %dma_wait3A = arith.constant 0 : i32
      %dma_wait3A_32 = tpu.memref_slice %arg9[%add3A_11, %dma_wait3A] : memref<10112x128xf32, #tpu.memory_space<vmem_shared>> -> memref<128x128xf32, #tpu.memory_space<vmem_shared>>
      %dma_wait3A_33 = arith.constant 0 : i32
      %dma_wait3A_34 = tpu.memref_slice %arg9[%add3A_11, %dma_wait3A_33] : memref<10112x128xf32, #tpu.memory_space<vmem_shared>> -> memref<128x128xf32, #tpu.memory_space<vmem_shared>>
      tpu.wait_dma2 semaphore(%run_scoped3A : memref<!tpu.dma_semaphore, #tpu.memory_space<semaphore_mem>>) src(%arg8 : memref<128x128xf32, #tpu.memory_space<vmem>>) dst(%dma_wait3A_34 : memref<128x128xf32, #tpu.memory_space<vmem_shared>>)
      tpu.yield
    }) : () -> ()
    %add3A_12 = arith.constant 384 : i32
    %add3A_13 = arith.addi %mul3A_6, %add3A_12 : i32
    "tpu.region"() ({
      %run_scoped3A = tpu.sem_alloc : memref<!tpu.dma_semaphore, #tpu.memory_space<semaphore_mem>>
      %dma_start3A = arith.constant 0 : i32
      %dma_start3A_29 = tpu.memref_slice %arg9[%add3A_13, %dma_start3A] : memref<10112x128xf32, #tpu.memory_space<vmem_shared>> -> memref<128x128xf32, #tpu.memory_space<vmem_shared>>
      %dma_start3A_30 = arith.constant 0 : i32
      %dma_start3A_31 = tpu.memref_slice %arg9[%add3A_13, %dma_start3A_30] : memref<10112x128xf32, #tpu.memory_space<vmem_shared>> -> memref<128x128xf32, #tpu.memory_space<vmem_shared>>
      tpu.enqueue_dma source(%arg8 : memref<128x128xf32, #tpu.memory_space<vmem>>) target(%dma_start3A_31 : memref<128x128xf32, #tpu.memory_space<vmem_shared>>) target_semaphore(%run_scoped3A : memref<!tpu.dma_semaphore, #tpu.memory_space<semaphore_mem>>)
      %dma_wait3A = arith.constant 0 : i32
      %dma_wait3A_32 = tpu.memref_slice %arg9[%add3A_13, %dma_wait3A] : memref<10112x128xf32, #tpu.memory_space<vmem_shared>> -> memref<128x128xf32, #tpu.memory_space<vmem_shared>>
      %dma_wait3A_33 = arith.constant 0 : i32
      %dma_wait3A_34 = tpu.memref_slice %arg9[%add3A_13, %dma_wait3A_33] : memref<10112x128xf32, #tpu.memory_space<vmem_shared>> -> memref<128x128xf32, #tpu.memory_space<vmem_shared>>
      tpu.wait_dma2 semaphore(%run_scoped3A : memref<!tpu.dma_semaphore, #tpu.memory_space<semaphore_mem>>) src(%arg8 : memref<128x128xf32, #tpu.memory_space<vmem>>) dst(%dma_wait3A_34 : memref<128x128xf32, #tpu.memory_space<vmem_shared>>)
      tpu.yield
    }) : () -> ()
    %add3A_14 = arith.constant 512 : i32
    %add3A_15 = arith.addi %mul3A_6, %add3A_14 : i32
    "tpu.region"() ({
      %run_scoped3A = tpu.sem_alloc : memref<!tpu.dma_semaphore, #tpu.memory_space<semaphore_mem>>
      %dma_start3A = arith.constant 0 : i32
      %dma_start3A_29 = arith.constant 0 : i32
      %dma_start3A_30 = tpu.memref_slice %arg8[%dma_start3A, %dma_start3A_29] : memref<128x128xf32, #tpu.memory_space<vmem>> -> memref<120x128xf32, #tpu.memory_space<vmem>>
      %dma_start3A_31 = arith.constant 0 : i32
      %dma_start3A_32 = tpu.memref_slice %arg9[%add3A_15, %dma_start3A_31] : memref<10112x128xf32, #tpu.memory_space<vmem_shared>> -> memref<120x128xf32, #tpu.memory_space<vmem_shared>>
      %dma_start3A_33 = arith.constant 0 : i32
      %dma_start3A_34 = tpu.memref_slice %arg9[%add3A_15, %dma_start3A_33] : memref<10112x128xf32, #tpu.memory_space<vmem_shared>> -> memref<120x128xf32, #tpu.memory_space<vmem_shared>>
      %dma_start3A_35 = arith.constant 0 : i32
      %dma_start3A_36 = arith.constant 0 : i32
      %dma_start3A_37 = tpu.memref_slice %arg8[%dma_start3A_35, %dma_start3A_36] : memref<128x128xf32, #tpu.memory_space<vmem>> -> memref<120x128xf32, #tpu.memory_space<vmem>>
      tpu.enqueue_dma source(%dma_start3A_37 : memref<120x128xf32, #tpu.memory_space<vmem>>) target(%dma_start3A_34 : memref<120x128xf32, #tpu.memory_space<vmem_shared>>) target_semaphore(%run_scoped3A : memref<!tpu.dma_semaphore, #tpu.memory_space<semaphore_mem>>)
      %dma_wait3A = arith.constant 0 : i32
      %dma_wait3A_38 = arith.constant 0 : i32
      %dma_wait3A_39 = tpu.memref_slice %arg8[%dma_wait3A, %dma_wait3A_38] : memref<128x128xf32, #tpu.memory_space<vmem>> -> memref<120x128xf32, #tpu.memory_space<vmem>>
      %dma_wait3A_40 = arith.constant 0 : i32
      %dma_wait3A_41 = tpu.memref_slice %arg9[%add3A_15, %dma_wait3A_40] : memref<10112x128xf32, #tpu.memory_space<vmem_shared>> -> memref<120x128xf32, #tpu.memory_space<vmem_shared>>
      %dma_wait3A_42 = arith.constant 0 : i32
      %dma_wait3A_43 = tpu.memref_slice %arg9[%add3A_15, %dma_wait3A_42] : memref<10112x128xf32, #tpu.memory_space<vmem_shared>> -> memref<120x128xf32, #tpu.memory_space<vmem_shared>>
      %dma_wait3A_44 = arith.constant 0 : i32
      %dma_wait3A_45 = arith.constant 0 : i32
      %dma_wait3A_46 = tpu.memref_slice %arg8[%dma_wait3A_44, %dma_wait3A_45] : memref<128x128xf32, #tpu.memory_space<vmem>> -> memref<120x128xf32, #tpu.memory_space<vmem>>
      tpu.wait_dma2 semaphore(%run_scoped3A : memref<!tpu.dma_semaphore, #tpu.memory_space<semaphore_mem>>) src(%dma_wait3A_46 : memref<120x128xf32, #tpu.memory_space<vmem>>) dst(%dma_wait3A_43 : memref<120x128xf32, #tpu.memory_space<vmem_shared>>)
      tpu.yield
    }) : () -> ()
    %barrier3A = arith.constant 0 : index
    tpu.barrier barrier_id(%barrier3A)
    %mul3A_16 = arith.constant 16 : i32
    %mul3A_17 = arith.muli %arg0, %mul3A_16 : i32
    %add3A_18 = arith.addi %mul3A_17, %arg1 : i32
    %mul3A_19 = arith.constant 10240 : i32
    %mul3A_20 = arith.muli %add3A_18, %mul3A_19 : i32
    %multiple_of3A = tpu.assume_multiple %mul3A_20, 128 : i32
    %scan3A_21 = arith.constant 0 : i32
    %scan3A_22 = arith.constant 0 : i32
    %scan3A_23 = arith.constant 80 : i32
    %scan3A_24 = arith.addi %scan3A_22, %scan3A_23 : i32
    %scan3A_25 = arith.constant 1 : i32
    %scan3A_26 = scf.for %scan3A_29 = %scan3A_22 to %scan3A_24 step %scan3A_25 iter_args(%scan3A_30 = %scan3A_21) -> (i32)  : i32 {
      %mul3A_31 = arith.constant 128 : i32
      %mul3A_32 = arith.muli %scan3A_29, %mul3A_31 : i32
      %add3A_33 = arith.addi %multiple_of3A, %mul3A_32 : i32
      %multiple_of3A_34 = tpu.assume_multiple %add3A_33, 128 : i32
      "tpu.region"() ({
        %run_scoped3A = tpu.sem_alloc : memref<!tpu.dma_semaphore, #tpu.memory_space<semaphore_mem>>
        %dma_start3A_40 = tpu.memref_slice %arg3[%multiple_of3A_34] : memref<327680xi32, #tpu.memory_space<hbm>> -> memref<128xi32, #tpu.memory_space<hbm>>
        %dma_start3A_41 = tpu.memref_slice %arg3[%multiple_of3A_34] : memref<327680xi32, #tpu.memory_space<hbm>> -> memref<128xi32, #tpu.memory_space<hbm>>
        tpu.enqueue_dma source(%dma_start3A_41 : memref<128xi32, #tpu.memory_space<hbm>>) target(%arg6 : memref<128xi32, #tpu.memory_space<vmem>>) target_semaphore(%run_scoped3A : memref<!tpu.dma_semaphore, #tpu.memory_space<semaphore_mem>>)
        %dma_wait3A_42 = tpu.memref_slice %arg3[%multiple_of3A_34] : memref<327680xi32, #tpu.memory_space<hbm>> -> memref<128xi32, #tpu.memory_space<hbm>>
        %dma_wait3A_43 = tpu.memref_slice %arg3[%multiple_of3A_34] : memref<327680xi32, #tpu.memory_space<hbm>> -> memref<128xi32, #tpu.memory_space<hbm>>
        tpu.wait_dma2 semaphore(%run_scoped3A : memref<!tpu.dma_semaphore, #tpu.memory_space<semaphore_mem>>) src(%dma_wait3A_43 : memref<128xi32, #tpu.memory_space<hbm>>) dst(%arg6 : memref<128xi32, #tpu.memory_space<vmem>>)
        tpu.yield
      }) : () -> ()
      "tpu.region"() ({
        %run_scoped3A = tpu.sem_alloc : memref<!tpu.dma_semaphore, #tpu.memory_space<semaphore_mem>>
        %dma_start3A_40 = tpu.memref_slice %arg4[%multiple_of3A_34] : memref<327680xi32, #tpu.memory_space<hbm>> -> memref<128xi32, #tpu.memory_space<hbm>>
        %dma_start3A_41 = tpu.memref_slice %arg4[%multiple_of3A_34] : memref<327680xi32, #tpu.memory_space<hbm>> -> memref<128xi32, #tpu.memory_space<hbm>>
        tpu.enqueue_dma source(%dma_start3A_41 : memref<128xi32, #tpu.memory_space<hbm>>) target(%arg7 : memref<128xi32, #tpu.memory_space<vmem>>) target_semaphore(%run_scoped3A : memref<!tpu.dma_semaphore, #tpu.memory_space<semaphore_mem>>)
        %dma_wait3A_42 = tpu.memref_slice %arg4[%multiple_of3A_34] : memref<327680xi32, #tpu.memory_space<hbm>> -> memref<128xi32, #tpu.memory_space<hbm>>
        %dma_wait3A_43 = tpu.memref_slice %arg4[%multiple_of3A_34] : memref<327680xi32, #tpu.memory_space<hbm>> -> memref<128xi32, #tpu.memory_space<hbm>>
        tpu.wait_dma2 semaphore(%run_scoped3A : memref<!tpu.dma_semaphore, #tpu.memory_space<semaphore_mem>>) src(%dma_wait3A_43 : memref<128xi32, #tpu.memory_space<hbm>>) dst(%arg7 : memref<128xi32, #tpu.memory_space<vmem>>)
        tpu.yield
      }) : () -> ()
      %dma_start3A = arith.constant 0 : i32
      %dma_start3A_35 = arith.constant 0 : i32
      %dma_start3A_36 = tpu.memref_slice %arg2[%dma_start3A, %dma_start3A_35] : memref<10000x128xf32, #tpu.memory_space<hbm>> -> memref<10000x128xf32, #tpu.memory_space<hbm>>
      tpu.enqueue_indirect_dma source(%dma_start3A_36 : memref<10000x128xf32, #tpu.memory_space<hbm>>) target(%arg8 : memref<128x128xf32, #tpu.memory_space<vmem>>) offsets(%arg6 : memref<128xi32, #tpu.memory_space<vmem>>) semaphore(%arg10 : memref<!tpu.dma_semaphore, #tpu.memory_space<semaphore_mem>>)
      %dma_wait3A = arith.constant 0 : i32
      %dma_wait3A_37 = arith.constant 0 : i32
      %dma_wait3A_38 = tpu.memref_slice %arg2[%dma_wait3A, %dma_wait3A_37] : memref<10000x128xf32, #tpu.memory_space<hbm>> -> memref<10000x128xf32, #tpu.memory_space<hbm>>
      tpu.wait_indirect_dma semaphore(%arg10 : memref<!tpu.dma_semaphore, #tpu.memory_space<semaphore_mem>>) src(%dma_wait3A_38 : memref<10000x128xf32, #tpu.memory_space<hbm>>) dst(%arg8 : memref<128x128xf32, #tpu.memory_space<vmem>>)
      "tpu.region"() ({
        %run_scoped3A = tpu.sem_alloc : memref<!tpu.dma_semaphore, #tpu.memory_space<semaphore_mem>>
        %dma_start3A_40 = arith.constant 0 : i32
        %dma_start3A_41 = arith.constant 0 : i32
        %dma_start3A_42 = tpu.memref_slice %arg9[%dma_start3A_40, %dma_start3A_41] : memref<10112x128xf32, #tpu.memory_space<vmem_shared>> -> memref<10112x128xf32, #tpu.memory_space<vmem_shared>>
        tpu.enqueue_indirect_dma source(%arg8 : memref<128x128xf32, #tpu.memory_space<vmem>>) target(%dma_start3A_42 : memref<10112x128xf32, #tpu.memory_space<vmem_shared>>) offsets(%arg7 : memref<128xi32, #tpu.memory_space<vmem>>) semaphore(%run_scoped3A : memref<!tpu.dma_semaphore, #tpu.memory_space<semaphore_mem>>) {add = true}
        %dma_wait3A_43 = arith.constant 0 : i32
        %dma_wait3A_44 = arith.constant 0 : i32
        %dma_wait3A_45 = tpu.memref_slice %arg9[%dma_wait3A_43, %dma_wait3A_44] : memref<10112x128xf32, #tpu.memory_space<vmem_shared>> -> memref<10112x128xf32, #tpu.memory_space<vmem_shared>>
        tpu.wait_indirect_dma semaphore(%run_scoped3A : memref<!tpu.dma_semaphore, #tpu.memory_space<semaphore_mem>>) src(%arg8 : memref<128x128xf32, #tpu.memory_space<vmem>>) dst(%dma_wait3A_45 : memref<10112x128xf32, #tpu.memory_space<vmem_shared>>)
        tpu.yield
      }) : () -> ()
      %scan3A_39 = arith.constant 0 : i32
      scf.yield %scan3A_39 : i32
    }
    %scan3A_27 = arith.constant 80 : i32
    %barrier3A_28 = arith.constant 0 : index
    tpu.barrier barrier_id(%barrier3A_28)
    "tpu.region"() ({
      %run_scoped3A = tpu.sem_alloc : memref<!tpu.dma_semaphore, #tpu.memory_space<semaphore_mem>>
      %dma_start3A = arith.constant 0 : i32
      %dma_start3A_29 = tpu.memref_slice %arg5[%arg0, %mul3A_6, %dma_start3A] : memref<2x10112x128xf32, #tpu.memory_space<hbm>> -> memref<1x632x128xf32, #tpu.memory_space<hbm>>
      %dma_start3A_30 = tpu.memref_squeeze %dma_start3A_29 : memref<1x632x128xf32, #tpu.memory_space<hbm>> -> memref<632x128xf32, #tpu.memory_space<hbm>>
      %dma_start3A_31 = arith.constant 0 : i32
      %dma_start3A_32 = tpu.memref_slice %arg9[%mul3A_6, %dma_start3A_31] : memref<10112x128xf32, #tpu.memory_space<vmem_shared>> -> memref<632x128xf32, #tpu.memory_space<vmem_shared>>
      tpu.enqueue_dma source(%dma_start3A_32 : memref<632x128xf32, #tpu.memory_space<vmem_shared>>) target(%dma_start3A_30 : memref<632x128xf32, #tpu.memory_space<hbm>>) target_semaphore(%run_scoped3A : memref<!tpu.dma_semaphore, #tpu.memory_space<semaphore_mem>>)
      %dma_wait3A = arith.constant 0 : i32
      %dma_wait3A_33 = tpu.memref_slice %arg5[%arg0, %mul3A_6, %dma_wait3A] : memref<2x10112x128xf32, #tpu.memory_space<hbm>> -> memref<1x632x128xf32, #tpu.memory_space<hbm>>
      %dma_wait3A_34 = tpu.memref_squeeze %dma_wait3A_33 : memref<1x632x128xf32, #tpu.memory_space<hbm>> -> memref<632x128xf32, #tpu.memory_space<hbm>>
      %dma_wait3A_35 = arith.constant 0 : i32
      %dma_wait3A_36 = tpu.memref_slice %arg9[%mul3A_6, %dma_wait3A_35] : memref<10112x128xf32, #tpu.memory_space<vmem_shared>> -> memref<632x128xf32, #tpu.memory_space<vmem_shared>>
      tpu.wait_dma2 semaphore(%run_scoped3A : memref<!tpu.dma_semaphore, #tpu.memory_space<semaphore_mem>>) src(%dma_wait3A_36 : memref<632x128xf32, #tpu.memory_space<vmem_shared>>) dst(%dma_wait3A_34 : memref<632x128xf32, #tpu.memory_space<hbm>>)
      tpu.yield
    }) : () -> ()
    return
  }
}

#map = affine_map<(d0, d1) -> (0, 0)>
#map1 = affine_map<(d0, d1) -> (0)>
#map2 = affine_map<(d0, d1) -> (0, 0, 0)>
module attributes {stable_mosaic.version = 14 : i64} {
  func.func @body(%arg0: i32, %arg1: i32, %arg2: memref<10000x128xf32, #tpu.memory_space<hbm>>, %arg3: memref<327680xi32, #tpu.memory_space<hbm>>, %arg4: memref<327680xi32, #tpu.memory_space<hbm>>, %arg5: memref<2x10112x128xf32, #tpu.memory_space<hbm>>, %arg6: memref<128xi32, #tpu.memory_space<vmem>>, %arg7: memref<128xi32, #tpu.memory_space<vmem>>, %arg8: memref<128x128xf32, #tpu.memory_space<vmem>>, %arg9: memref<10112x128xf32, #tpu.memory_space<vmem_shared>>, %arg10: memref<!tpu.dma_semaphore, #tpu.memory_space<semaphore_mem>>) attributes {dimension_semantics = [#tpu.dimension_semantics<core_parallel>, #tpu.dimension_semantics<subcore_parallel>], iteration_bounds = array<i64: 2, 16>, scalar_prefetch = 0 : i64, scratch_operands = 5 : i64, tpu.core_type = #tpu.core_type<sc_vector_subcore>, window_params = [{transform_indices = #map}, {transform_indices = #map1}, {transform_indices = #map1}, {transform_indices = #map2}]} {
    %scan3A = arith.constant 0 : i32
    %scan3A_0 = arith.constant 0 : i32
    %scan3A_1 = arith.constant 128 : i32
    %scan3A_2 = arith.addi %scan3A_0, %scan3A_1 : i32
    %scan3A_3 = arith.constant 1 : i32
    %scan3A_4 = scf.for %scan3A_29 = %scan3A_0 to %scan3A_2 step %scan3A_3 iter_args(%scan3A_30 = %scan3A) -> (i32)  : i32 {
      %scan3A_31 = arith.constant 0 : i32
      %scan3A_32 = arith.constant 0 : i32
      %scan3A_33 = arith.constant 8 : i32
      %scan3A_34 = arith.addi %scan3A_32, %scan3A_33 : i32
      %scan3A_35 = arith.constant 1 : i32
      %scan3A_36 = scf.for %scan3A_38 = %scan3A_32 to %scan3A_34 step %scan3A_35 iter_args(%scan3A_39 = %scan3A_31) -> (i32)  : i32 {
        %broadcast_in_dim3A = arith.constant 0.000000e+00 : f32
        %broadcast_in_dim3A_40 = vector.broadcast %broadcast_in_dim3A : f32 to vector<16xf32>
        %mul3A_41 = arith.constant 16 : i32
        %mul3A_42 = arith.muli %scan3A_38, %mul3A_41 : i32
        %swap3A = arith.index_cast %scan3A_29 : i32 to index
        %swap3A_43 = arith.index_cast %mul3A_42 : i32 to index
        %swap3A_44 = tpu.vector_load %arg8[%swap3A, %swap3A_43] {strides = array<i32>} : memref<128x128xf32, #tpu.memory_space<vmem>>, vector<1x16xf32>,
        %swap3A_45 = vector.shape_cast %swap3A_44 : vector<1x16xf32> to vector<16xf32>
        %swap3A_46 = vector.shape_cast %broadcast_in_dim3A_40 : vector<16xf32> to vector<1x16xf32>
        tpu.vector_store %arg8[%swap3A, %swap3A_43], %swap3A_46 {strides = array<i32>} : memref<128x128xf32, #tpu.memory_space<vmem>>, vector<1x16xf32>,
        %scan3A_47 = arith.constant 0 : i32
        scf.yield %scan3A_47 : i32
      }
      %scan3A_37 = arith.constant 8 : i32
      scf.yield %scan3A_36 : i32
    }
    %scan3A_5 = arith.constant 128 : i32
    %mul3A = arith.constant 632 : i32
    %mul3A_6 = arith.muli %arg1, %mul3A : i32
    %add3A = arith.constant 0 : i32
    %add3A_7 = arith.addi %mul3A_6, %add3A : i32
    "tpu.region"() ({
      %run_scoped3A = tpu.sem_alloc : memref<!tpu.dma_semaphore, #tpu.memory_space<semaphore_mem>>
      %dma_start3A = arith.constant 0 : i32
      %dma_start3A_29 = tpu.memref_slice %arg9[%add3A_7, %dma_start3A] : memref<10112x128xf32, #tpu.memory_space<vmem_shared>> -> memref<128x128xf32, #tpu.memory_space<vmem_shared>>
      %dma_start3A_30 = arith.constant 0 : i32
      %dma_start3A_31 = tpu.memref_slice %arg9[%add3A_7, %dma_start3A_30] : memref<10112x128xf32, #tpu.memory_space<vmem_shared>> -> memref<128x128xf32, #tpu.memory_space<vmem_shared>>
      tpu.enqueue_dma source(%arg8 : memref<128x128xf32, #tpu.memory_space<vmem>>) target(%dma_start3A_31 : memref<128x128xf32, #tpu.memory_space<vmem_shared>>) target_semaphore(%run_scoped3A : memref<!tpu.dma_semaphore, #tpu.memory_space<semaphore_mem>>)
      %dma_wait3A = arith.constant 0 : i32
      %dma_wait3A_32 = tpu.memref_slice %arg9[%add3A_7, %dma_wait3A] : memref<10112x128xf32, #tpu.memory_space<vmem_shared>> -> memref<128x128xf32, #tpu.memory_space<vmem_shared>>
      %dma_wait3A_33 = arith.constant 0 : i32
      %dma_wait3A_34 = tpu.memref_slice %arg9[%add3A_7, %dma_wait3A_33] : memref<10112x128xf32, #tpu.memory_space<vmem_shared>> -> memref<128x128xf32, #tpu.memory_space<vmem_shared>>
      tpu.wait_dma2 semaphore(%run_scoped3A : memref<!tpu.dma_semaphore, #tpu.memory_space<semaphore_mem>>) src(%arg8 : memref<128x128xf32, #tpu.memory_space<vmem>>) dst(%dma_wait3A_34 : memref<128x128xf32, #tpu.memory_space<vmem_shared>>)
      tpu.yield
    }) : () -> ()
    %add3A_8 = arith.constant 128 : i32
    %add3A_9 = arith.addi %mul3A_6, %add3A_8 : i32
    "tpu.region"() ({
      %run_scoped3A = tpu.sem_alloc : memref<!tpu.dma_semaphore, #tpu.memory_space<semaphore_mem>>
      %dma_start3A = arith.constant 0 : i32
      %dma_start3A_29 = tpu.memref_slice %arg9[%add3A_9, %dma_start3A] : memref<10112x128xf32, #tpu.memory_space<vmem_shared>> -> memref<128x128xf32, #tpu.memory_space<vmem_shared>>
      %dma_start3A_30 = arith.constant 0 : i32
      %dma_start3A_31 = tpu.memref_slice %arg9[%add3A_9, %dma_start3A_30] : memref<10112x128xf32, #tpu.memory_space<vmem_shared>> -> memref<128x128xf32, #tpu.memory_space<vmem_shared>>
      tpu.enqueue_dma source(%arg8 : memref<128x128xf32, #tpu.memory_space<vmem>>) target(%dma_start3A_31 : memref<128x128xf32, #tpu.memory_space<vmem_shared>>) target_semaphore(%run_scoped3A : memref<!tpu.dma_semaphore, #tpu.memory_space<semaphore_mem>>)
      %dma_wait3A = arith.constant 0 : i32
      %dma_wait3A_32 = tpu.memref_slice %arg9[%add3A_9, %dma_wait3A] : memref<10112x128xf32, #tpu.memory_space<vmem_shared>> -> memref<128x128xf32, #tpu.memory_space<vmem_shared>>
      %dma_wait3A_33 = arith.constant 0 : i32
      %dma_wait3A_34 = tpu.memref_slice %arg9[%add3A_9, %dma_wait3A_33] : memref<10112x128xf32, #tpu.memory_space<vmem_shared>> -> memref<128x128xf32, #tpu.memory_space<vmem_shared>>
      tpu.wait_dma2 semaphore(%run_scoped3A : memref<!tpu.dma_semaphore, #tpu.memory_space<semaphore_mem>>) src(%arg8 : memref<128x128xf32, #tpu.memory_space<vmem>>) dst(%dma_wait3A_34 : memref<128x128xf32, #tpu.memory_space<vmem_shared>>)
      tpu.yield
    }) : () -> ()
    %add3A_10 = arith.constant 256 : i32
    %add3A_11 = arith.addi %mul3A_6, %add3A_10 : i32
    "tpu.region"() ({
      %run_scoped3A = tpu.sem_alloc : memref<!tpu.dma_semaphore, #tpu.memory_space<semaphore_mem>>
      %dma_start3A = arith.constant 0 : i32
      %dma_start3A_29 = tpu.memref_slice %arg9[%add3A_11, %dma_start3A] : memref<10112x128xf32, #tpu.memory_space<vmem_shared>> -> memref<128x128xf32, #tpu.memory_space<vmem_shared>>
      %dma_start3A_30 = arith.constant 0 : i32
      %dma_start3A_31 = tpu.memref_slice %arg9[%add3A_11, %dma_start3A_30] : memref<10112x128xf32, #tpu.memory_space<vmem_shared>> -> memref<128x128xf32, #tpu.memory_space<vmem_shared>>
      tpu.enqueue_dma source(%arg8 : memref<128x128xf32, #tpu.memory_space<vmem>>) target(%dma_start3A_31 : memref<128x128xf32, #tpu.memory_space<vmem_shared>>) target_semaphore(%run_scoped3A : memref<!tpu.dma_semaphore, #tpu.memory_space<semaphore_mem>>)
      %dma_wait3A = arith.constant 0 : i32
      %dma_wait3A_32 = tpu.memref_slice %arg9[%add3A_11, %dma_wait3A] : memref<10112x128xf32, #tpu.memory_space<vmem_shared>> -> memref<128x128xf32, #tpu.memory_space<vmem_shared>>
      %dma_wait3A_33 = arith.constant 0 : i32
      %dma_wait3A_34 = tpu.memref_slice %arg9[%add3A_11, %dma_wait3A_33] : memref<10112x128xf32, #tpu.memory_space<vmem_shared>> -> memref<128x128xf32, #tpu.memory_space<vmem_shared>>
      tpu.wait_dma2 semaphore(%run_scoped3A : memref<!tpu.dma_semaphore, #tpu.memory_space<semaphore_mem>>) src(%arg8 : memref<128x128xf32, #tpu.memory_space<vmem>>) dst(%dma_wait3A_34 : memref<128x128xf32, #tpu.memory_space<vmem_shared>>)
      tpu.yield
    }) : () -> ()
    %add3A_12 = arith.constant 384 : i32
    %add3A_13 = arith.addi %mul3A_6, %add3A_12 : i32
    "tpu.region"() ({
      %run_scoped3A = tpu.sem_alloc : memref<!tpu.dma_semaphore, #tpu.memory_space<semaphore_mem>>
      %dma_start3A = arith.constant 0 : i32
      %dma_start3A_29 = tpu.memref_slice %arg9[%add3A_13, %dma_start3A] : memref<10112x128xf32, #tpu.memory_space<vmem_shared>> -> memref<128x128xf32, #tpu.memory_space<vmem_shared>>
      %dma_start3A_30 = arith.constant 0 : i32
      %dma_start3A_31 = tpu.memref_slice %arg9[%add3A_13, %dma_start3A_30] : memref<10112x128xf32, #tpu.memory_space<vmem_shared>> -> memref<128x128xf32, #tpu.memory_space<vmem_shared>>
      tpu.enqueue_dma source(%arg8 : memref<128x128xf32, #tpu.memory_space<vmem>>) target(%dma_start3A_31 : memref<128x128xf32, #tpu.memory_space<vmem_shared>>) target_semaphore(%run_scoped3A : memref<!tpu.dma_semaphore, #tpu.memory_space<semaphore_mem>>)
      %dma_wait3A = arith.constant 0 : i32
      %dma_wait3A_32 = tpu.memref_slice %arg9[%add3A_13, %dma_wait3A] : memref<10112x128xf32, #tpu.memory_space<vmem_shared>> -> memref<128x128xf32, #tpu.memory_space<vmem_shared>>
      %dma_wait3A_33 = arith.constant 0 : i32
      %dma_wait3A_34 = tpu.memref_slice %arg9[%add3A_13, %dma_wait3A_33] : memref<10112x128xf32, #tpu.memory_space<vmem_shared>> -> memref<128x128xf32, #tpu.memory_space<vmem_shared>>
      tpu.wait_dma2 semaphore(%run_scoped3A : memref<!tpu.dma_semaphore, #tpu.memory_space<semaphore_mem>>) src(%arg8 : memref<128x128xf32, #tpu.memory_space<vmem>>) dst(%dma_wait3A_34 : memref<128x128xf32, #tpu.memory_space<vmem_shared>>)
      tpu.yield
    }) : () -> ()
    %add3A_14 = arith.constant 512 : i32
    %add3A_15 = arith.addi %mul3A_6, %add3A_14 : i32
    "tpu.region"() ({
      %run_scoped3A = tpu.sem_alloc : memref<!tpu.dma_semaphore, #tpu.memory_space<semaphore_mem>>
      %dma_start3A = arith.constant 0 : i32
      %dma_start3A_29 = arith.constant 0 : i32
      %dma_start3A_30 = tpu.memref_slice %arg8[%dma_start3A, %dma_start3A_29] : memref<128x128xf32, #tpu.memory_space<vmem>> -> memref<120x128xf32, #tpu.memory_space<vmem>>
      %dma_start3A_31 = arith.constant 0 : i32
      %dma_start3A_32 = tpu.memref_slice %arg9[%add3A_15, %dma_start3A_31] : memref<10112x128xf32, #tpu.memory_space<vmem_shared>> -> memref<120x128xf32, #tpu.memory_space<vmem_shared>>
      %dma_start3A_33 = arith.constant 0 : i32
      %dma_start3A_34 = tpu.memref_slice %arg9[%add3A_15, %dma_start3A_33] : memref<10112x128xf32, #tpu.memory_space<vmem_shared>> -> memref<120x128xf32, #tpu.memory_space<vmem_shared>>
      %dma_start3A_35 = arith.constant 0 : i32
      %dma_start3A_36 = arith.constant 0 : i32
      %dma_start3A_37 = tpu.memref_slice %arg8[%dma_start3A_35, %dma_start3A_36] : memref<128x128xf32, #tpu.memory_space<vmem>> -> memref<120x128xf32, #tpu.memory_space<vmem>>
      tpu.enqueue_dma source(%dma_start3A_37 : memref<120x128xf32, #tpu.memory_space<vmem>>) target(%dma_start3A_34 : memref<120x128xf32, #tpu.memory_space<vmem_shared>>) target_semaphore(%run_scoped3A : memref<!tpu.dma_semaphore, #tpu.memory_space<semaphore_mem>>)
      %dma_wait3A = arith.constant 0 : i32
      %dma_wait3A_38 = arith.constant 0 : i32
      %dma_wait3A_39 = tpu.memref_slice %arg8[%dma_wait3A, %dma_wait3A_38] : memref<128x128xf32, #tpu.memory_space<vmem>> -> memref<120x128xf32, #tpu.memory_space<vmem>>
      %dma_wait3A_40 = arith.constant 0 : i32
      %dma_wait3A_41 = tpu.memref_slice %arg9[%add3A_15, %dma_wait3A_40] : memref<10112x128xf32, #tpu.memory_space<vmem_shared>> -> memref<120x128xf32, #tpu.memory_space<vmem_shared>>
      %dma_wait3A_42 = arith.constant 0 : i32
      %dma_wait3A_43 = tpu.memref_slice %arg9[%add3A_15, %dma_wait3A_42] : memref<10112x128xf32, #tpu.memory_space<vmem_shared>> -> memref<120x128xf32, #tpu.memory_space<vmem_shared>>
      %dma_wait3A_44 = arith.constant 0 : i32
      %dma_wait3A_45 = arith.constant 0 : i32
      %dma_wait3A_46 = tpu.memref_slice %arg8[%dma_wait3A_44, %dma_wait3A_45] : memref<128x128xf32, #tpu.memory_space<vmem>> -> memref<120x128xf32, #tpu.memory_space<vmem>>
      tpu.wait_dma2 semaphore(%run_scoped3A : memref<!tpu.dma_semaphore, #tpu.memory_space<semaphore_mem>>) src(%dma_wait3A_46 : memref<120x128xf32, #tpu.memory_space<vmem>>) dst(%dma_wait3A_43 : memref<120x128xf32, #tpu.memory_space<vmem_shared>>)
      tpu.yield
    }) : () -> ()
    %barrier3A = arith.constant 0 : index
    tpu.barrier barrier_id(%barrier3A)
    %mul3A_16 = arith.constant 16 : i32
    %mul3A_17 = arith.muli %arg0, %mul3A_16 : i32
    %add3A_18 = arith.addi %mul3A_17, %arg1 : i32
    %mul3A_19 = arith.constant 10240 : i32
    %mul3A_20 = arith.muli %add3A_18, %mul3A_19 : i32
    %multiple_of3A = tpu.assume_multiple %mul3A_20, 128 : i32
    %scan3A_21 = arith.constant 0 : i32
    %scan3A_22 = arith.constant 0 : i32
    %scan3A_23 = arith.constant 80 : i32
    %scan3A_24 = arith.addi %scan3A_22, %scan3A_23 : i32
    %scan3A_25 = arith.constant 1 : i32
    %scan3A_26 = scf.for %scan3A_29 = %scan3A_22 to %scan3A_24 step %scan3A_25 iter_args(%scan3A_30 = %scan3A_21) -> (i32)  : i32 {
      %mul3A_31 = arith.constant 128 : i32
      %mul3A_32 = arith.muli %scan3A_29, %mul3A_31 : i32
      %add3A_33 = arith.addi %multiple_of3A, %mul3A_32 : i32
      %multiple_of3A_34 = tpu.assume_multiple %add3A_33, 128 : i32
      "tpu.region"() ({
        %run_scoped3A = tpu.sem_alloc : memref<!tpu.dma_semaphore, #tpu.memory_space<semaphore_mem>>
        %dma_start3A_40 = tpu.memref_slice %arg3[%multiple_of3A_34] : memref<327680xi32, #tpu.memory_space<hbm>> -> memref<128xi32, #tpu.memory_space<hbm>>
        %dma_start3A_41 = tpu.memref_slice %arg3[%multiple_of3A_34] : memref<327680xi32, #tpu.memory_space<hbm>> -> memref<128xi32, #tpu.memory_space<hbm>>
        tpu.enqueue_dma source(%dma_start3A_41 : memref<128xi32, #tpu.memory_space<hbm>>) target(%arg6 : memref<128xi32, #tpu.memory_space<vmem>>) target_semaphore(%run_scoped3A : memref<!tpu.dma_semaphore, #tpu.memory_space<semaphore_mem>>)
        %dma_wait3A_42 = tpu.memref_slice %arg3[%multiple_of3A_34] : memref<327680xi32, #tpu.memory_space<hbm>> -> memref<128xi32, #tpu.memory_space<hbm>>
        %dma_wait3A_43 = tpu.memref_slice %arg3[%multiple_of3A_34] : memref<327680xi32, #tpu.memory_space<hbm>> -> memref<128xi32, #tpu.memory_space<hbm>>
        tpu.wait_dma2 semaphore(%run_scoped3A : memref<!tpu.dma_semaphore, #tpu.memory_space<semaphore_mem>>) src(%dma_wait3A_43 : memref<128xi32, #tpu.memory_space<hbm>>) dst(%arg6 : memref<128xi32, #tpu.memory_space<vmem>>)
        tpu.yield
      }) : () -> ()
      "tpu.region"() ({
        %run_scoped3A = tpu.sem_alloc : memref<!tpu.dma_semaphore, #tpu.memory_space<semaphore_mem>>
        %dma_start3A_40 = tpu.memref_slice %arg4[%multiple_of3A_34] : memref<327680xi32, #tpu.memory_space<hbm>> -> memref<128xi32, #tpu.memory_space<hbm>>
        %dma_start3A_41 = tpu.memref_slice %arg4[%multiple_of3A_34] : memref<327680xi32, #tpu.memory_space<hbm>> -> memref<128xi32, #tpu.memory_space<hbm>>
        tpu.enqueue_dma source(%dma_start3A_41 : memref<128xi32, #tpu.memory_space<hbm>>) target(%arg7 : memref<128xi32, #tpu.memory_space<vmem>>) target_semaphore(%run_scoped3A : memref<!tpu.dma_semaphore, #tpu.memory_space<semaphore_mem>>)
        %dma_wait3A_42 = tpu.memref_slice %arg4[%multiple_of3A_34] : memref<327680xi32, #tpu.memory_space<hbm>> -> memref<128xi32, #tpu.memory_space<hbm>>
        %dma_wait3A_43 = tpu.memref_slice %arg4[%multiple_of3A_34] : memref<327680xi32, #tpu.memory_space<hbm>> -> memref<128xi32, #tpu.memory_space<hbm>>
        tpu.wait_dma2 semaphore(%run_scoped3A : memref<!tpu.dma_semaphore, #tpu.memory_space<semaphore_mem>>) src(%dma_wait3A_43 : memref<128xi32, #tpu.memory_space<hbm>>) dst(%arg7 : memref<128xi32, #tpu.memory_space<vmem>>)
        tpu.yield
      }) : () -> ()
      %dma_start3A = arith.constant 0 : i32
      %dma_start3A_35 = arith.constant 0 : i32
      %dma_start3A_36 = tpu.memref_slice %arg2[%dma_start3A, %dma_start3A_35] : memref<10000x128xf32, #tpu.memory_space<hbm>> -> memref<10000x128xf32, #tpu.memory_space<hbm>>
      tpu.enqueue_indirect_dma source(%dma_start3A_36 : memref<10000x128xf32, #tpu.memory_space<hbm>>) target(%arg8 : memref<128x128xf32, #tpu.memory_space<vmem>>) offsets(%arg6 : memref<128xi32, #tpu.memory_space<vmem>>) semaphore(%arg10 : memref<!tpu.dma_semaphore, #tpu.memory_space<semaphore_mem>>)
      %dma_wait3A = arith.constant 0 : i32
      %dma_wait3A_37 = arith.constant 0 : i32
      %dma_wait3A_38 = tpu.memref_slice %arg2[%dma_wait3A, %dma_wait3A_37] : memref<10000x128xf32, #tpu.memory_space<hbm>> -> memref<10000x128xf32, #tpu.memory_space<hbm>>
      tpu.wait_indirect_dma semaphore(%arg10 : memref<!tpu.dma_semaphore, #tpu.memory_space<semaphore_mem>>) src(%dma_wait3A_38 : memref<10000x128xf32, #tpu.memory_space<hbm>>) dst(%arg8 : memref<128x128xf32, #tpu.memory_space<vmem>>)
      "tpu.region"() ({
        %run_scoped3A = tpu.sem_alloc : memref<!tpu.dma_semaphore, #tpu.memory_space<semaphore_mem>>
        %dma_start3A_40 = arith.constant 0 : i32
        %dma_start3A_41 = arith.constant 0 : i32
        %dma_start3A_42 = tpu.memref_slice %arg9[%dma_start3A_40, %dma_start3A_41] : memref<10112x128xf32, #tpu.memory_space<vmem_shared>> -> memref<10112x128xf32, #tpu.memory_space<vmem_shared>>
        tpu.enqueue_indirect_dma source(%arg8 : memref<128x128xf32, #tpu.memory_space<vmem>>) target(%dma_start3A_42 : memref<10112x128xf32, #tpu.memory_space<vmem_shared>>) offsets(%arg7 : memref<128xi32, #tpu.memory_space<vmem>>) semaphore(%run_scoped3A : memref<!tpu.dma_semaphore, #tpu.memory_space<semaphore_mem>>) {add = true}
        %dma_wait3A_43 = arith.constant 0 : i32
        %dma_wait3A_44 = arith.constant 0 : i32
        %dma_wait3A_45 = tpu.memref_slice %arg9[%dma_wait3A_43, %dma_wait3A_44] : memref<10112x128xf32, #tpu.memory_space<vmem_shared>> -> memref<10112x128xf32, #tpu.memory_space<vmem_shared>>
        tpu.wait_indirect_dma semaphore(%run_scoped3A : memref<!tpu.dma_semaphore, #tpu.memory_space<semaphore_mem>>) src(%arg8 : memref<128x128xf32, #tpu.memory_space<vmem>>) dst(%dma_wait3A_45 : memref<10112x128xf32, #tpu.memory_space<vmem_shared>>)
        tpu.yield
      }) : () -> ()
      %scan3A_39 = arith.constant 0 : i32
      scf.yield %scan3A_39 : i32
    }
    %scan3A_27 = arith.constant 80 : i32
    %barrier3A_28 = arith.constant 0 : index
    tpu.barrier barrier_id(%barrier3A_28)
    "tpu.region"() ({
      %run_scoped3A = tpu.sem_alloc : memref<!tpu.dma_semaphore, #tpu.memory_space<semaphore_mem>>
      %dma_start3A = arith.constant 0 : i32
      %dma_start3A_29 = tpu.memref_slice %arg5[%arg0, %mul3A_6, %dma_start3A] : memref<2x10112x128xf32, #tpu.memory_space<hbm>> -> memref<1x632x128xf32, #tpu.memory_space<hbm>>
      %dma_start3A_30 = tpu.memref_squeeze %dma_start3A_29 : memref<1x632x128xf32, #tpu.memory_space<hbm>> -> memref<632x128xf32, #tpu.memory_space<hbm>>
      %dma_start3A_31 = arith.constant 0 : i32
      %dma_start3A_32 = tpu.memref_slice %arg9[%mul3A_6, %dma_start3A_31] : memref<10112x128xf32, #tpu.memory_space<vmem_shared>> -> memref<632x128xf32, #tpu.memory_space<vmem_shared>>
      tpu.enqueue_dma source(%dma_start3A_32 : memref<632x128xf32, #tpu.memory_space<vmem_shared>>) target(%dma_start3A_30 : memref<632x128xf32, #tpu.memory_space<hbm>>) target_semaphore(%run_scoped3A : memref<!tpu.dma_semaphore, #tpu.memory_space<semaphore_mem>>)
      %dma_wait3A = arith.constant 0 : i32
      %dma_wait3A_33 = tpu.memref_slice %arg5[%arg0, %mul3A_6, %dma_wait3A] : memref<2x10112x128xf32, #tpu.memory_space<hbm>> -> memref<1x632x128xf32, #tpu.memory_space<hbm>>
      %dma_wait3A_34 = tpu.memref_squeeze %dma_wait3A_33 : memref<1x632x128xf32, #tpu.memory_space<hbm>> -> memref<632x128xf32, #tpu.memory_space<hbm>>
      %dma_wait3A_35 = arith.constant 0 : i32
      %dma_wait3A_36 = tpu.memref_slice %arg9[%mul3A_6, %dma_wait3A_35] : memref<10112x128xf32, #tpu.memory_space<vmem_shared>> -> memref<632x128xf32, #tpu.memory_space<vmem_shared>>
      tpu.wait_dma2 semaphore(%run_scoped3A : memref<!tpu.dma_semaphore, #tpu.memory_space<semaphore_mem>>) src(%dma_wait3A_36 : memref<632x128xf32, #tpu.memory_space<vmem_shared>>) dst(%dma_wait3A_34 : memref<632x128xf32, #tpu.memory_space<hbm>>)
      tpu.yield
    }) : () -> ()
    return
  }
}

#map = affine_map<(d0, d1) -> (0)>
#map1 = affine_map<(d0, d1) -> (0, 0, 0)>
module attributes {stable_mosaic.version = 14 : i64} {
  func.func @body(%arg0: i32, %arg1: i32, %arg2: memref<327680xi32, #tpu.memory_space<hbm>>, %arg3: memref<2x10112x128xf32, #tpu.memory_space<hbm>>, %arg4: memref<128xi32, #tpu.memory_space<vmem>>, %arg5: memref<128x128xf32, #tpu.memory_space<vmem>>, %arg6: memref<10112x128xf32, #tpu.memory_space<vmem_shared>>) attributes {dimension_semantics = [#tpu.dimension_semantics<core_parallel>, #tpu.dimension_semantics<subcore_parallel>], iteration_bounds = array<i64: 2, 16>, scalar_prefetch = 0 : i64, scratch_operands = 3 : i64, tpu.core_type = #tpu.core_type<sc_vector_subcore>, window_params = [{transform_indices = #map}, {transform_indices = #map1}]} {
    %scan3A = arith.constant 0 : i32
    %scan3A_0 = arith.constant 0 : i32
    %scan3A_1 = arith.constant 128 : i32
    %scan3A_2 = arith.addi %scan3A_0, %scan3A_1 : i32
    %scan3A_3 = arith.constant 1 : i32
    %scan3A_4 = scf.for %scan3A_36 = %scan3A_0 to %scan3A_2 step %scan3A_3 iter_args(%scan3A_37 = %scan3A) -> (i32)  : i32 {
      %scan3A_38 = arith.constant 0 : i32
      %scan3A_39 = arith.constant 0 : i32
      %scan3A_40 = arith.constant 8 : i32
      %scan3A_41 = arith.addi %scan3A_39, %scan3A_40 : i32
      %scan3A_42 = arith.constant 1 : i32
      %scan3A_43 = scf.for %scan3A_45 = %scan3A_39 to %scan3A_41 step %scan3A_42 iter_args(%scan3A_46 = %scan3A_38) -> (i32)  : i32 {
        %broadcast_in_dim3A = arith.constant 0.000000e+00 : f32
        %broadcast_in_dim3A_47 = vector.broadcast %broadcast_in_dim3A : f32 to vector<16xf32>
        %mul3A_48 = arith.constant 16 : i32
        %mul3A_49 = arith.muli %scan3A_45, %mul3A_48 : i32
        %swap3A = arith.index_cast %scan3A_36 : i32 to index
        %swap3A_50 = arith.index_cast %mul3A_49 : i32 to index
        %swap3A_51 = tpu.vector_load %arg5[%swap3A, %swap3A_50] {strides = array<i32>} : memref<128x128xf32, #tpu.memory_space<vmem>>, vector<1x16xf32>,
        %swap3A_52 = vector.shape_cast %swap3A_51 : vector<1x16xf32> to vector<16xf32>
        %swap3A_53 = vector.shape_cast %broadcast_in_dim3A_47 : vector<16xf32> to vector<1x16xf32>
        tpu.vector_store %arg5[%swap3A, %swap3A_50], %swap3A_53 {strides = array<i32>} : memref<128x128xf32, #tpu.memory_space<vmem>>, vector<1x16xf32>,
        %scan3A_54 = arith.constant 0 : i32
        scf.yield %scan3A_54 : i32
      }
      %scan3A_44 = arith.constant 8 : i32
      scf.yield %scan3A_43 : i32
    }
    %scan3A_5 = arith.constant 128 : i32
    %mul3A = arith.constant 632 : i32
    %mul3A_6 = arith.muli %arg1, %mul3A : i32
    %add3A = arith.constant 0 : i32
    %add3A_7 = arith.addi %mul3A_6, %add3A : i32
    "tpu.region"() ({
      %run_scoped3A = tpu.sem_alloc : memref<!tpu.dma_semaphore, #tpu.memory_space<semaphore_mem>>
      %dma_start3A = arith.constant 0 : i32
      %dma_start3A_36 = tpu.memref_slice %arg6[%add3A_7, %dma_start3A] : memref<10112x128xf32, #tpu.memory_space<vmem_shared>> -> memref<128x128xf32, #tpu.memory_space<vmem_shared>>
      %dma_start3A_37 = arith.constant 0 : i32
      %dma_start3A_38 = tpu.memref_slice %arg6[%add3A_7, %dma_start3A_37] : memref<10112x128xf32, #tpu.memory_space<vmem_shared>> -> memref<128x128xf32, #tpu.memory_space<vmem_shared>>
      tpu.enqueue_dma source(%arg5 : memref<128x128xf32, #tpu.memory_space<vmem>>) target(%dma_start3A_38 : memref<128x128xf32, #tpu.memory_space<vmem_shared>>) target_semaphore(%run_scoped3A : memref<!tpu.dma_semaphore, #tpu.memory_space<semaphore_mem>>)
      %dma_wait3A = arith.constant 0 : i32
      %dma_wait3A_39 = tpu.memref_slice %arg6[%add3A_7, %dma_wait3A] : memref<10112x128xf32, #tpu.memory_space<vmem_shared>> -> memref<128x128xf32, #tpu.memory_space<vmem_shared>>
      %dma_wait3A_40 = arith.constant 0 : i32
      %dma_wait3A_41 = tpu.memref_slice %arg6[%add3A_7, %dma_wait3A_40] : memref<10112x128xf32, #tpu.memory_space<vmem_shared>> -> memref<128x128xf32, #tpu.memory_space<vmem_shared>>
      tpu.wait_dma2 semaphore(%run_scoped3A : memref<!tpu.dma_semaphore, #tpu.memory_space<semaphore_mem>>) src(%arg5 : memref<128x128xf32, #tpu.memory_space<vmem>>) dst(%dma_wait3A_41 : memref<128x128xf32, #tpu.memory_space<vmem_shared>>)
      tpu.yield
    }) : () -> ()
    %add3A_8 = arith.constant 128 : i32
    %add3A_9 = arith.addi %mul3A_6, %add3A_8 : i32
    "tpu.region"() ({
      %run_scoped3A = tpu.sem_alloc : memref<!tpu.dma_semaphore, #tpu.memory_space<semaphore_mem>>
      %dma_start3A = arith.constant 0 : i32
      %dma_start3A_36 = tpu.memref_slice %arg6[%add3A_9, %dma_start3A] : memref<10112x128xf32, #tpu.memory_space<vmem_shared>> -> memref<128x128xf32, #tpu.memory_space<vmem_shared>>
      %dma_start3A_37 = arith.constant 0 : i32
      %dma_start3A_38 = tpu.memref_slice %arg6[%add3A_9, %dma_start3A_37] : memref<10112x128xf32, #tpu.memory_space<vmem_shared>> -> memref<128x128xf32, #tpu.memory_space<vmem_shared>>
      tpu.enqueue_dma source(%arg5 : memref<128x128xf32, #tpu.memory_space<vmem>>) target(%dma_start3A_38 : memref<128x128xf32, #tpu.memory_space<vmem_shared>>) target_semaphore(%run_scoped3A : memref<!tpu.dma_semaphore, #tpu.memory_space<semaphore_mem>>)
      %dma_wait3A = arith.constant 0 : i32
      %dma_wait3A_39 = tpu.memref_slice %arg6[%add3A_9, %dma_wait3A] : memref<10112x128xf32, #tpu.memory_space<vmem_shared>> -> memref<128x128xf32, #tpu.memory_space<vmem_shared>>
      %dma_wait3A_40 = arith.constant 0 : i32
      %dma_wait3A_41 = tpu.memref_slice %arg6[%add3A_9, %dma_wait3A_40] : memref<10112x128xf32, #tpu.memory_space<vmem_shared>> -> memref<128x128xf32, #tpu.memory_space<vmem_shared>>
      tpu.wait_dma2 semaphore(%run_scoped3A : memref<!tpu.dma_semaphore, #tpu.memory_space<semaphore_mem>>) src(%arg5 : memref<128x128xf32, #tpu.memory_space<vmem>>) dst(%dma_wait3A_41 : memref<128x128xf32, #tpu.memory_space<vmem_shared>>)
      tpu.yield
    }) : () -> ()
    %add3A_10 = arith.constant 256 : i32
    %add3A_11 = arith.addi %mul3A_6, %add3A_10 : i32
    "tpu.region"() ({
      %run_scoped3A = tpu.sem_alloc : memref<!tpu.dma_semaphore, #tpu.memory_space<semaphore_mem>>
      %dma_start3A = arith.constant 0 : i32
      %dma_start3A_36 = tpu.memref_slice %arg6[%add3A_11, %dma_start3A] : memref<10112x128xf32, #tpu.memory_space<vmem_shared>> -> memref<128x128xf32, #tpu.memory_space<vmem_shared>>
      %dma_start3A_37 = arith.constant 0 : i32
      %dma_start3A_38 = tpu.memref_slice %arg6[%add3A_11, %dma_start3A_37] : memref<10112x128xf32, #tpu.memory_space<vmem_shared>> -> memref<128x128xf32, #tpu.memory_space<vmem_shared>>
      tpu.enqueue_dma source(%arg5 : memref<128x128xf32, #tpu.memory_space<vmem>>) target(%dma_start3A_38 : memref<128x128xf32, #tpu.memory_space<vmem_shared>>) target_semaphore(%run_scoped3A : memref<!tpu.dma_semaphore, #tpu.memory_space<semaphore_mem>>)
      %dma_wait3A = arith.constant 0 : i32
      %dma_wait3A_39 = tpu.memref_slice %arg6[%add3A_11, %dma_wait3A] : memref<10112x128xf32, #tpu.memory_space<vmem_shared>> -> memref<128x128xf32, #tpu.memory_space<vmem_shared>>
      %dma_wait3A_40 = arith.constant 0 : i32
      %dma_wait3A_41 = tpu.memref_slice %arg6[%add3A_11, %dma_wait3A_40] : memref<10112x128xf32, #tpu.memory_space<vmem_shared>> -> memref<128x128xf32, #tpu.memory_space<vmem_shared>>
      tpu.wait_dma2 semaphore(%run_scoped3A : memref<!tpu.dma_semaphore, #tpu.memory_space<semaphore_mem>>) src(%arg5 : memref<128x128xf32, #tpu.memory_space<vmem>>) dst(%dma_wait3A_41 : memref<128x128xf32, #tpu.memory_space<vmem_shared>>)
      tpu.yield
    }) : () -> ()
    %add3A_12 = arith.constant 384 : i32
    %add3A_13 = arith.addi %mul3A_6, %add3A_12 : i32
    "tpu.region"() ({
      %run_scoped3A = tpu.sem_alloc : memref<!tpu.dma_semaphore, #tpu.memory_space<semaphore_mem>>
      %dma_start3A = arith.constant 0 : i32
      %dma_start3A_36 = tpu.memref_slice %arg6[%add3A_13, %dma_start3A] : memref<10112x128xf32, #tpu.memory_space<vmem_shared>> -> memref<128x128xf32, #tpu.memory_space<vmem_shared>>
      %dma_start3A_37 = arith.constant 0 : i32
      %dma_start3A_38 = tpu.memref_slice %arg6[%add3A_13, %dma_start3A_37] : memref<10112x128xf32, #tpu.memory_space<vmem_shared>> -> memref<128x128xf32, #tpu.memory_space<vmem_shared>>
      tpu.enqueue_dma source(%arg5 : memref<128x128xf32, #tpu.memory_space<vmem>>) target(%dma_start3A_38 : memref<128x128xf32, #tpu.memory_space<vmem_shared>>) target_semaphore(%run_scoped3A : memref<!tpu.dma_semaphore, #tpu.memory_space<semaphore_mem>>)
      %dma_wait3A = arith.constant 0 : i32
      %dma_wait3A_39 = tpu.memref_slice %arg6[%add3A_13, %dma_wait3A] : memref<10112x128xf32, #tpu.memory_space<vmem_shared>> -> memref<128x128xf32, #tpu.memory_space<vmem_shared>>
      %dma_wait3A_40 = arith.constant 0 : i32
      %dma_wait3A_41 = tpu.memref_slice %arg6[%add3A_13, %dma_wait3A_40] : memref<10112x128xf32, #tpu.memory_space<vmem_shared>> -> memref<128x128xf32, #tpu.memory_space<vmem_shared>>
      tpu.wait_dma2 semaphore(%run_scoped3A : memref<!tpu.dma_semaphore, #tpu.memory_space<semaphore_mem>>) src(%arg5 : memref<128x128xf32, #tpu.memory_space<vmem>>) dst(%dma_wait3A_41 : memref<128x128xf32, #tpu.memory_space<vmem_shared>>)
      tpu.yield
    }) : () -> ()
    %add3A_14 = arith.constant 512 : i32
    %add3A_15 = arith.addi %mul3A_6, %add3A_14 : i32
    "tpu.region"() ({
      %run_scoped3A = tpu.sem_alloc : memref<!tpu.dma_semaphore, #tpu.memory_space<semaphore_mem>>
      %dma_start3A = arith.constant 0 : i32
      %dma_start3A_36 = arith.constant 0 : i32
      %dma_start3A_37 = tpu.memref_slice %arg5[%dma_start3A, %dma_start3A_36] : memref<128x128xf32, #tpu.memory_space<vmem>> -> memref<120x128xf32, #tpu.memory_space<vmem>>
      %dma_start3A_38 = arith.constant 0 : i32
      %dma_start3A_39 = tpu.memref_slice %arg6[%add3A_15, %dma_start3A_38] : memref<10112x128xf32, #tpu.memory_space<vmem_shared>> -> memref<120x128xf32, #tpu.memory_space<vmem_shared>>
      %dma_start3A_40 = arith.constant 0 : i32
      %dma_start3A_41 = tpu.memref_slice %arg6[%add3A_15, %dma_start3A_40] : memref<10112x128xf32, #tpu.memory_space<vmem_shared>> -> memref<120x128xf32, #tpu.memory_space<vmem_shared>>
      %dma_start3A_42 = arith.constant 0 : i32
      %dma_start3A_43 = arith.constant 0 : i32
      %dma_start3A_44 = tpu.memref_slice %arg5[%dma_start3A_42, %dma_start3A_43] : memref<128x128xf32, #tpu.memory_space<vmem>> -> memref<120x128xf32, #tpu.memory_space<vmem>>
      tpu.enqueue_dma source(%dma_start3A_44 : memref<120x128xf32, #tpu.memory_space<vmem>>) target(%dma_start3A_41 : memref<120x128xf32, #tpu.memory_space<vmem_shared>>) target_semaphore(%run_scoped3A : memref<!tpu.dma_semaphore, #tpu.memory_space<semaphore_mem>>)
      %dma_wait3A = arith.constant 0 : i32
      %dma_wait3A_45 = arith.constant 0 : i32
      %dma_wait3A_46 = tpu.memref_slice %arg5[%dma_wait3A, %dma_wait3A_45] : memref<128x128xf32, #tpu.memory_space<vmem>> -> memref<120x128xf32, #tpu.memory_space<vmem>>
      %dma_wait3A_47 = arith.constant 0 : i32
      %dma_wait3A_48 = tpu.memref_slice %arg6[%add3A_15, %dma_wait3A_47] : memref<10112x128xf32, #tpu.memory_space<vmem_shared>> -> memref<120x128xf32, #tpu.memory_space<vmem_shared>>
      %dma_wait3A_49 = arith.constant 0 : i32
      %dma_wait3A_50 = tpu.memref_slice %arg6[%add3A_15, %dma_wait3A_49] : memref<10112x128xf32, #tpu.memory_space<vmem_shared>> -> memref<120x128xf32, #tpu.memory_space<vmem_shared>>
      %dma_wait3A_51 = arith.constant 0 : i32
      %dma_wait3A_52 = arith.constant 0 : i32
      %dma_wait3A_53 = tpu.memref_slice %arg5[%dma_wait3A_51, %dma_wait3A_52] : memref<128x128xf32, #tpu.memory_space<vmem>> -> memref<120x128xf32, #tpu.memory_space<vmem>>
      tpu.wait_dma2 semaphore(%run_scoped3A : memref<!tpu.dma_semaphore, #tpu.memory_space<semaphore_mem>>) src(%dma_wait3A_53 : memref<120x128xf32, #tpu.memory_space<vmem>>) dst(%dma_wait3A_50 : memref<120x128xf32, #tpu.memory_space<vmem_shared>>)
      tpu.yield
    }) : () -> ()
    %barrier3A = arith.constant 0 : index
    tpu.barrier barrier_id(%barrier3A)
    %scan3A_16 = arith.constant 0 : i32
    %scan3A_17 = arith.constant 0 : i32
    %scan3A_18 = arith.constant 128 : i32
    %scan3A_19 = arith.addi %scan3A_17, %scan3A_18 : i32
    %scan3A_20 = arith.constant 1 : i32
    %scan3A_21 = scf.for %scan3A_36 = %scan3A_17 to %scan3A_19 step %scan3A_20 iter_args(%scan3A_37 = %scan3A_16) -> (i32)  : i32 {
      %scan3A_38 = arith.constant 0 : i32
      %scan3A_39 = arith.constant 0 : i32
      %scan3A_40 = arith.constant 8 : i32
      %scan3A_41 = arith.addi %scan3A_39, %scan3A_40 : i32
      %scan3A_42 = arith.constant 1 : i32
      %scan3A_43 = scf.for %scan3A_45 = %scan3A_39 to %scan3A_41 step %scan3A_42 iter_args(%scan3A_46 = %scan3A_38) -> (i32)  : i32 {
        %broadcast_in_dim3A = arith.constant 1.000000e+00 : f32
        %broadcast_in_dim3A_47 = vector.broadcast %broadcast_in_dim3A : f32 to vector<16xf32>
        %mul3A_48 = arith.constant 16 : i32
        %mul3A_49 = arith.muli %scan3A_45, %mul3A_48 : i32
        %swap3A = arith.index_cast %scan3A_36 : i32 to index
        %swap3A_50 = arith.index_cast %mul3A_49 : i32 to index
        %swap3A_51 = tpu.vector_load %arg5[%swap3A, %swap3A_50] {strides = array<i32>} : memref<128x128xf32, #tpu.memory_space<vmem>>, vector<1x16xf32>,
        %swap3A_52 = vector.shape_cast %swap3A_51 : vector<1x16xf32> to vector<16xf32>
        %swap3A_53 = vector.shape_cast %broadcast_in_dim3A_47 : vector<16xf32> to vector<1x16xf32>
        tpu.vector_store %arg5[%swap3A, %swap3A_50], %swap3A_53 {strides = array<i32>} : memref<128x128xf32, #tpu.memory_space<vmem>>, vector<1x16xf32>,
        %scan3A_54 = arith.constant 0 : i32
        scf.yield %scan3A_54 : i32
      }
      %scan3A_44 = arith.constant 8 : i32
      scf.yield %scan3A_43 : i32
    }
    %scan3A_22 = arith.constant 128 : i32
    %mul3A_23 = arith.constant 16 : i32
    %mul3A_24 = arith.muli %arg0, %mul3A_23 : i32
    %add3A_25 = arith.addi %mul3A_24, %arg1 : i32
    %mul3A_26 = arith.constant 10240 : i32
    %mul3A_27 = arith.muli %add3A_25, %mul3A_26 : i32
    %multiple_of3A = tpu.assume_multiple %mul3A_27, 128 : i32
    %scan3A_28 = arith.constant 0 : i32
    %scan3A_29 = arith.constant 0 : i32
    %scan3A_30 = arith.constant 80 : i32
    %scan3A_31 = arith.addi %scan3A_29, %scan3A_30 : i32
    %scan3A_32 = arith.constant 1 : i32
    %scan3A_33 = scf.for %scan3A_36 = %scan3A_29 to %scan3A_31 step %scan3A_32 iter_args(%scan3A_37 = %scan3A_28) -> (i32)  : i32 {
      %mul3A_38 = arith.constant 128 : i32
      %mul3A_39 = arith.muli %scan3A_36, %mul3A_38 : i32
      %add3A_40 = arith.addi %multiple_of3A, %mul3A_39 : i32
      %multiple_of3A_41 = tpu.assume_multiple %add3A_40, 128 : i32
      "tpu.region"() ({
        %run_scoped3A = tpu.sem_alloc : memref<!tpu.dma_semaphore, #tpu.memory_space<semaphore_mem>>
        %dma_start3A = tpu.memref_slice %arg2[%multiple_of3A_41] : memref<327680xi32, #tpu.memory_space<hbm>> -> memref<128xi32, #tpu.memory_space<hbm>>
        %dma_start3A_43 = tpu.memref_slice %arg2[%multiple_of3A_41] : memref<327680xi32, #tpu.memory_space<hbm>> -> memref<128xi32, #tpu.memory_space<hbm>>
        tpu.enqueue_dma source(%dma_start3A_43 : memref<128xi32, #tpu.memory_space<hbm>>) target(%arg4 : memref<128xi32, #tpu.memory_space<vmem>>) target_semaphore(%run_scoped3A : memref<!tpu.dma_semaphore, #tpu.memory_space<semaphore_mem>>)
        %dma_wait3A = tpu.memref_slice %arg2[%multiple_of3A_41] : memref<327680xi32, #tpu.memory_space<hbm>> -> memref<128xi32, #tpu.memory_space<hbm>>
        %dma_wait3A_44 = tpu.memref_slice %arg2[%multiple_of3A_41] : memref<327680xi32, #tpu.memory_space<hbm>> -> memref<128xi32, #tpu.memory_space<hbm>>
        tpu.wait_dma2 semaphore(%run_scoped3A : memref<!tpu.dma_semaphore, #tpu.memory_space<semaphore_mem>>) src(%dma_wait3A_44 : memref<128xi32, #tpu.memory_space<hbm>>) dst(%arg4 : memref<128xi32, #tpu.memory_space<vmem>>)
        tpu.yield
      }) : () -> ()
      "tpu.region"() ({
        %run_scoped3A = tpu.sem_alloc : memref<!tpu.dma_semaphore, #tpu.memory_space<semaphore_mem>>
        %dma_start3A = arith.constant 0 : i32
        %dma_start3A_43 = arith.constant 0 : i32
        %dma_start3A_44 = tpu.memref_slice %arg6[%dma_start3A, %dma_start3A_43] : memref<10112x128xf32, #tpu.memory_space<vmem_shared>> -> memref<10112x128xf32, #tpu.memory_space<vmem_shared>>
        tpu.enqueue_indirect_dma source(%arg5 : memref<128x128xf32, #tpu.memory_space<vmem>>) target(%dma_start3A_44 : memref<10112x128xf32, #tpu.memory_space<vmem_shared>>) offsets(%arg4 : memref<128xi32, #tpu.memory_space<vmem>>) semaphore(%run_scoped3A : memref<!tpu.dma_semaphore, #tpu.memory_space<semaphore_mem>>) {add = true}
        %dma_wait3A = arith.constant 0 : i32
        %dma_wait3A_45 = arith.constant 0 : i32
        %dma_wait3A_46 = tpu.memref_slice %arg6[%dma_wait3A, %dma_wait3A_45] : memref<10112x128xf32, #tpu.memory_space<vmem_shared>> -> memref<10112x128xf32, #tpu.memory_space<vmem_shared>>
        tpu.wait_indirect_dma semaphore(%run_scoped3A : memref<!tpu.dma_semaphore, #tpu.memory_space<semaphore_mem>>) src(%arg5 : memref<128x128xf32, #tpu.memory_space<vmem>>) dst(%dma_wait3A_46 : memref<10112x128xf32, #tpu.memory_space<vmem_shared>>)
        tpu.yield
      }) : () -> ()
      %scan3A_42 = arith.constant 0 : i32
      scf.yield %scan3A_42 : i32
    }
    %scan3A_34 = arith.constant 80 : i32
    %barrier3A_35 = arith.constant 0 : index
    tpu.barrier barrier_id(%barrier3A_35)
    "tpu.region"() ({
      %run_scoped3A = tpu.sem_alloc : memref<!tpu.dma_semaphore, #tpu.memory_space<semaphore_mem>>
      %dma_start3A = arith.constant 0 : i32
      %dma_start3A_36 = tpu.memref_slice %arg3[%arg0, %mul3A_6, %dma_start3A] : memref<2x10112x128xf32, #tpu.memory_space<hbm>> -> memref<1x632x128xf32, #tpu.memory_space<hbm>>
      %dma_start3A_37 = tpu.memref_squeeze %dma_start3A_36 : memref<1x632x128xf32, #tpu.memory_space<hbm>> -> memref<632x128xf32, #tpu.memory_space<hbm>>
      %dma_start3A_38 = arith.constant 0 : i32
      %dma_start3A_39 = tpu.memref_slice %arg6[%mul3A_6, %dma_start3A_38] : memref<10112x128xf32, #tpu.memory_space<vmem_shared>> -> memref<632x128xf32, #tpu.memory_space<vmem_shared>>
      tpu.enqueue_dma source(%dma_start3A_39 : memref<632x128xf32, #tpu.memory_space<vmem_shared>>) target(%dma_start3A_37 : memref<632x128xf32, #tpu.memory_space<hbm>>) target_semaphore(%run_scoped3A : memref<!tpu.dma_semaphore, #tpu.memory_space<semaphore_mem>>)
      %dma_wait3A = arith.constant 0 : i32
      %dma_wait3A_40 = tpu.memref_slice %arg3[%arg0, %mul3A_6, %dma_wait3A] : memref<2x10112x128xf32, #tpu.memory_space<hbm>> -> memref<1x632x128xf32, #tpu.memory_space<hbm>>
      %dma_wait3A_41 = tpu.memref_squeeze %dma_wait3A_40 : memref<1x632x128xf32, #tpu.memory_space<hbm>> -> memref<632x128xf32, #tpu.memory_space<hbm>>
      %dma_wait3A_42 = arith.constant 0 : i32
      %dma_wait3A_43 = tpu.memref_slice %arg6[%mul3A_6, %dma_wait3A_42] : memref<10112x128xf32, #tpu.memory_space<vmem_shared>> -> memref<632x128xf32, #tpu.memory_space<vmem_shared>>
      tpu.wait_dma2 semaphore(%run_scoped3A : memref<!tpu.dma_semaphore, #tpu.memory_space<semaphore_mem>>) src(%dma_wait3A_43 : memref<632x128xf32, #tpu.memory_space<vmem_shared>>) dst(%dma_wait3A_41 : memref<632x128xf32, #tpu.memory_space<hbm>>)
      tpu.yield
    }) : () -> ()
    return
  }
}

module attributes {stable_mosaic.version = 14 : i64} {
  func.func @_tc_mid(%arg0: i32, %arg1: memref<2000x128xf32, #tpu.memory_space<vmem>>, %arg2: memref<2x2000x128xf32, #tpu.memory_space<vmem>>, %arg3: memref<2x2000x128xf32, #tpu.memory_space<vmem>>, %arg4: memref<128x128xf32, #tpu.memory_space<vmem>>, %arg5: memref<128x128xf32, #tpu.memory_space<vmem>>, %arg6: memref<2000x128xf32, #tpu.memory_space<vmem>>, %arg7: memref<2000x128xf32, #tpu.memory_space<vmem>>) attributes {dimension_semantics = [#tpu.dimension_semantics<arbitrary>], iteration_bounds = array<i64: 5>, scalar_prefetch = 0 : i64, scratch_operands = 0 : i64, tpu.core_type = #tpu.core_type<tc>, window_params = [{transform_indices = @transform_0, window_bounds = array<i64: 2000, 128>}, {transform_indices = @transform_1, window_bounds = array<i64: 2, 2000, 128>}, {transform_indices = @transform_2, window_bounds = array<i64: 2, 2000, 128>}, {pipeline_mode = #tpu.pipeline_mode<synchronous>, transform_indices = @transform_3, window_bounds = array<i64: 128, 128>}, {pipeline_mode = #tpu.pipeline_mode<synchronous>, transform_indices = @transform_4, window_bounds = array<i64: 128, 128>}, {transform_indices = @transform_5, window_bounds = array<i64: 2000, 128>}, {transform_indices = @transform_6, window_bounds = array<i64: 2000, 128>}]} {
    %get3A = arith.constant 0 : index
    %get3A_0 = arith.constant 0 : index
    %get3A_1 = arith.constant 0 : index
    %get3A_2 = vector.load %arg2[%get3A, %get3A_0, %get3A_1] : memref<2x2000x128xf32, #tpu.memory_space<vmem>>, vector<1x2000x128xf32>
    %get3A_3 = vector.shape_cast %get3A_2 : vector<1x2000x128xf32> to vector<2000x128xf32>
    %get3A_4 = arith.constant 1 : index
    %get3A_5 = arith.constant 0 : index
    %get3A_6 = arith.constant 0 : index
    %get3A_7 = vector.load %arg2[%get3A_4, %get3A_5, %get3A_6] : memref<2x2000x128xf32, #tpu.memory_space<vmem>>, vector<1x2000x128xf32>
    %get3A_8 = vector.shape_cast %get3A_7 : vector<1x2000x128xf32> to vector<2000x128xf32>
    %add3A = arith.addf %get3A_3, %get3A_8 : vector<2000x128xf32>
    %get3A_9 = arith.constant 0 : index
    %get3A_10 = arith.constant 0 : index
    %get3A_11 = arith.constant 0 : index
    %get3A_12 = vector.load %arg3[%get3A_9, %get3A_10, %get3A_11] : memref<2x2000x128xf32, #tpu.memory_space<vmem>>, vector<1x2000x128xf32>
    %get3A_13 = vector.shape_cast %get3A_12 : vector<1x2000x128xf32> to vector<2000x128xf32>
    %get3A_14 = arith.constant 1 : index
    %get3A_15 = arith.constant 0 : index
    %get3A_16 = arith.constant 0 : index
    %get3A_17 = vector.load %arg3[%get3A_14, %get3A_15, %get3A_16] : memref<2x2000x128xf32, #tpu.memory_space<vmem>>, vector<1x2000x128xf32>
    %get3A_18 = vector.shape_cast %get3A_17 : vector<1x2000x128xf32> to vector<2000x128xf32>
    %add3A_19 = arith.addf %get3A_13, %get3A_18 : vector<2000x128xf32>
    %max3A = arith.constant 1.000000e+00 : f32
    %max3A_20 = vector.broadcast %max3A : f32 to vector<2000x128xf32>
    %max3A_21 = arith.maximumf %add3A_19, %max3A_20 : vector<2000x128xf32>
    %div3A = arith.constant 1.000000e+00 : f32
    %div3A_22 = vector.broadcast %div3A : f32 to vector<2000x128xf32>
    %div3A_23 = arith.divf %div3A_22, %max3A_21 : vector<2000x128xf32>
    %get3A_24 = arith.constant 0 : index
    %get3A_25 = arith.constant 0 : index
    %get3A_26 = vector.load %arg1[%get3A_24, %get3A_25] : memref<2000x128xf32, #tpu.memory_space<vmem>>, vector<2000x128xf32>
    %mul3A = arith.mulf %add3A, %div3A_23 : vector<2000x128xf32>
    %add3A_27 = arith.addf %get3A_26, %mul3A : vector<2000x128xf32>
    %max3A_28 = arith.constant 0.000000e+00 : f32
    %max3A_29 = vector.broadcast %max3A_28 : f32 to vector<2000x128xf32>
    %max3A_30 = arith.maximumf %add3A_27, %max3A_29 : vector<2000x128xf32>
    %swap3A = arith.constant 0 : index
    %swap3A_31 = arith.constant 0 : index
    %swap3A_32 = vector.load %arg6[%swap3A, %swap3A_31] : memref<2000x128xf32, #tpu.memory_space<vmem>>, vector<2000x128xf32>
    tpu.vector_store %arg6[%swap3A, %swap3A_31], %max3A_30 {strides = array<i32>} : memref<2000x128xf32, #tpu.memory_space<vmem>>, vector<2000x128xf32>,
    %get3A_33 = arith.constant 0 : index
    %get3A_34 = arith.constant 0 : index
    %get3A_35 = vector.load %arg4[%get3A_33, %get3A_34] : memref<128x128xf32, #tpu.memory_space<vmem>>, vector<128x128xf32>
    %dot_general3A = arith.constant dense<0.000000e+00> : vector<2000x128xf32>
    %dot_general3A_36 = tpu.matmul %max3A_30, %get3A_35, %dot_general3A {dimension_numbers = #tpu.dot_dimension_numbers<[1], [0], [0], [1], [0, 0, 1, 1], [], []>, precision = #tpu.contract_precision<fp32>, transpose_lhs_hint = false} : vector<2000x128xf32>, vector<128x128xf32>, vector<2000x128xf32> -> vector<2000x128xf32>
    %get3A_37 = arith.constant 0 : index
    %get3A_38 = arith.constant 0 : index
    %get3A_39 = vector.load %arg5[%get3A_37, %get3A_38] : memref<128x128xf32, #tpu.memory_space<vmem>>, vector<128x128xf32>
    %dot_general3A_40 = arith.constant dense<0.000000e+00> : vector<2000x128xf32>
    %dot_general3A_41 = tpu.matmul %dot_general3A_36, %get3A_39, %dot_general3A_40 {dimension_numbers = #tpu.dot_dimension_numbers<[1], [0], [0], [1], [0, 0, 1, 1], [], []>, precision = #tpu.contract_precision<fp32>, transpose_lhs_hint = false} : vector<2000x128xf32>, vector<128x128xf32>, vector<2000x128xf32> -> vector<2000x128xf32>
    %swap3A_42 = arith.constant 0 : index
    %swap3A_43 = arith.constant 0 : index
    %swap3A_44 = vector.load %arg7[%swap3A_42, %swap3A_43] : memref<2000x128xf32, #tpu.memory_space<vmem>>, vector<2000x128xf32>
    tpu.vector_store %arg7[%swap3A_42, %swap3A_43], %dot_general3A_41 {strides = array<i32>} : memref<2000x128xf32, #tpu.memory_space<vmem>>, vector<2000x128xf32>,
    return
  }
  func.func @transform_0(%arg0: i32) -> (i32, i32) {
    %c0_i32 = arith.constant 0 : i32
    %c0_i32_0 = arith.constant 0 : i32
    return %arg0, %c0_i32 : i32, i32
  }
  func.func @transform_1(%arg0: i32) -> (i32, i32, i32) {
    %c0_i32 = arith.constant 0 : i32
    %c0_i32_0 = arith.constant 0 : i32
    %c0_i32_1 = arith.constant 0 : i32
    return %c0_i32, %arg0, %c0_i32_0 : i32, i32, i32
  }
  func.func @transform_2(%arg0: i32) -> (i32, i32, i32) {
    %c0_i32 = arith.constant 0 : i32
    %c0_i32_0 = arith.constant 0 : i32
    %c0_i32_1 = arith.constant 0 : i32
    return %c0_i32, %arg0, %c0_i32_0 : i32, i32, i32
  }
  func.func @transform_3(%arg0: i32) -> (i32, i32) {
    %c0_i32 = arith.constant 0 : i32
    %c0_i32_0 = arith.constant 0 : i32
    %c0_i32_1 = arith.constant 0 : i32
    return %c0_i32, %c0_i32_0 : i32, i32
  }
  func.func @transform_4(%arg0: i32) -> (i32, i32) {
    %c0_i32 = arith.constant 0 : i32
    %c0_i32_0 = arith.constant 0 : i32
    %c0_i32_1 = arith.constant 0 : i32
    return %c0_i32, %c0_i32_0 : i32, i32
  }
  func.func @transform_5(%arg0: i32) -> (i32, i32) {
    %c0_i32 = arith.constant 0 : i32
    %c0_i32_0 = arith.constant 0 : i32
    return %arg0, %c0_i32 : i32, i32
  }
  func.func @transform_6(%arg0: i32) -> (i32, i32) {
    %c0_i32 = arith.constant 0 : i32
    %c0_i32_0 = arith.constant 0 : i32
    return %arg0, %c0_i32 : i32, i32
  }
}

module attributes {stable_mosaic.version = 14 : i64} {
  func.func @_tc_pre(%arg0: i32, %arg1: memref<2000x128xf32, #tpu.memory_space<vmem>>, %arg2: memref<128x128xf32, #tpu.memory_space<vmem>>, %arg3: memref<128x128xf32, #tpu.memory_space<vmem>>, %arg4: memref<1x128xf32, #tpu.memory_space<vmem>>, %arg5: memref<2000x128xf32, #tpu.memory_space<vmem>>, %arg6: memref<2000x128xf32, #tpu.memory_space<vmem>>) attributes {dimension_semantics = [#tpu.dimension_semantics<arbitrary>], iteration_bounds = array<i64: 5>, scalar_prefetch = 0 : i64, scratch_operands = 0 : i64, tpu.core_type = #tpu.core_type<tc>, window_params = [{transform_indices = @transform_0, window_bounds = array<i64: 2000, 128>}, {pipeline_mode = #tpu.pipeline_mode<synchronous>, transform_indices = @transform_1, window_bounds = array<i64: 128, 128>}, {pipeline_mode = #tpu.pipeline_mode<synchronous>, transform_indices = @transform_2, window_bounds = array<i64: 128, 128>}, {pipeline_mode = #tpu.pipeline_mode<synchronous>, transform_indices = @transform_3, window_bounds = array<i64: 1, 128>}, {transform_indices = @transform_4, window_bounds = array<i64: 2000, 128>}, {transform_indices = @transform_5, window_bounds = array<i64: 2000, 128>}]} {
    %get3A = arith.constant 0 : index
    %get3A_0 = arith.constant 0 : index
    %get3A_1 = vector.load %arg1[%get3A, %get3A_0] : memref<2000x128xf32, #tpu.memory_space<vmem>>, vector<2000x128xf32>
    %get3A_2 = arith.constant 0 : index
    %get3A_3 = arith.constant 0 : index
    %get3A_4 = vector.load %arg2[%get3A_2, %get3A_3] : memref<128x128xf32, #tpu.memory_space<vmem>>, vector<128x128xf32>
    %dot_general3A = arith.constant dense<0.000000e+00> : vector<2000x128xf32>
    %dot_general3A_5 = tpu.matmul %get3A_1, %get3A_4, %dot_general3A {dimension_numbers = #tpu.dot_dimension_numbers<[1], [0], [0], [1], [0, 0, 1, 1], [], []>, precision = #tpu.contract_precision<fp32>, transpose_lhs_hint = false} : vector<2000x128xf32>, vector<128x128xf32>, vector<2000x128xf32> -> vector<2000x128xf32>
    %swap3A = arith.constant 0 : index
    %swap3A_6 = arith.constant 0 : index
    %swap3A_7 = vector.load %arg5[%swap3A, %swap3A_6] : memref<2000x128xf32, #tpu.memory_space<vmem>>, vector<2000x128xf32>
    tpu.vector_store %arg5[%swap3A, %swap3A_6], %dot_general3A_5 {strides = array<i32>} : memref<2000x128xf32, #tpu.memory_space<vmem>>, vector<2000x128xf32>,
    %get3A_8 = arith.constant 0 : index
    %get3A_9 = arith.constant 0 : index
    %get3A_10 = vector.load %arg3[%get3A_8, %get3A_9] : memref<128x128xf32, #tpu.memory_space<vmem>>, vector<128x128xf32>
    %dot_general3A_11 = arith.constant dense<0.000000e+00> : vector<2000x128xf32>
    %dot_general3A_12 = tpu.matmul %get3A_1, %get3A_10, %dot_general3A_11 {dimension_numbers = #tpu.dot_dimension_numbers<[1], [0], [0], [1], [0, 0, 1, 1], [], []>, precision = #tpu.contract_precision<fp32>, transpose_lhs_hint = false} : vector<2000x128xf32>, vector<128x128xf32>, vector<2000x128xf32> -> vector<2000x128xf32>
    %get3A_13 = arith.constant 0 : index
    %get3A_14 = arith.constant 0 : index
    %get3A_15 = vector.load %arg4[%get3A_13, %get3A_14] : memref<1x128xf32, #tpu.memory_space<vmem>>, vector<1x128xf32>
    %add3A = vector.broadcast %get3A_15 : vector<1x128xf32> to vector<2000x128xf32>
    %add3A_16 = arith.addf %dot_general3A_12, %add3A : vector<2000x128xf32>
    %swap3A_17 = arith.constant 0 : index
    %swap3A_18 = arith.constant 0 : index
    %swap3A_19 = vector.load %arg6[%swap3A_17, %swap3A_18] : memref<2000x128xf32, #tpu.memory_space<vmem>>, vector<2000x128xf32>
    tpu.vector_store %arg6[%swap3A_17, %swap3A_18], %add3A_16 {strides = array<i32>} : memref<2000x128xf32, #tpu.memory_space<vmem>>, vector<2000x128xf32>,
    return
  }
  func.func @transform_0(%arg0: i32) -> (i32, i32) {
    %c0_i32 = arith.constant 0 : i32
    %c0_i32_0 = arith.constant 0 : i32
    return %arg0, %c0_i32 : i32, i32
  }
  func.func @transform_1(%arg0: i32) -> (i32, i32) {
    %c0_i32 = arith.constant 0 : i32
    %c0_i32_0 = arith.constant 0 : i32
    %c0_i32_1 = arith.constant 0 : i32
    return %c0_i32, %c0_i32_0 : i32, i32
  }
  func.func @transform_2(%arg0: i32) -> (i32, i32) {
    %c0_i32 = arith.constant 0 : i32
    %c0_i32_0 = arith.constant 0 : i32
    %c0_i32_1 = arith.constant 0 : i32
    return %c0_i32, %c0_i32_0 : i32, i32
  }
  func.func @transform_3(%arg0: i32) -> (i32, i32) {
    %c0_i32 = arith.constant 0 : i32
    %c0_i32_0 = arith.constant 0 : i32
    %c0_i32_1 = arith.constant 0 : i32
    return %c0_i32, %c0_i32_0 : i32, i32
  }
  func.func @transform_4(%arg0: i32) -> (i32, i32) {
    %c0_i32 = arith.constant 0 : i32
    %c0_i32_0 = arith.constant 0 : i32
    return %arg0, %c0_i32 : i32, i32
  }
  func.func @transform_5(%arg0: i32) -> (i32, i32) {
    %c0_i32 = arith.constant 0 : i32
    %c0_i32_0 = arith.constant 0 : i32
    return %arg0, %c0_i32 : i32, i32
  }
}

module attributes {stable_mosaic.version = 14 : i64} {
  func.func @_tc_post(%arg0: i32, %arg1: memref<2000x128xf32, #tpu.memory_space<vmem>>, %arg2: memref<2x2000x128xf32, #tpu.memory_space<vmem>>, %arg3: memref<2x2000x128xf32, #tpu.memory_space<vmem>>, %arg4: memref<128x128xf32, #tpu.memory_space<vmem>>, %arg5: memref<128x128xf32, #tpu.memory_space<vmem>>, %arg6: memref<1x128xf32, #tpu.memory_space<vmem>>, %arg7: memref<2000x128xf32, #tpu.memory_space<vmem>>) attributes {dimension_semantics = [#tpu.dimension_semantics<arbitrary>], iteration_bounds = array<i64: 5>, scalar_prefetch = 0 : i64, scratch_operands = 0 : i64, tpu.core_type = #tpu.core_type<tc>, window_params = [{transform_indices = @transform_0, window_bounds = array<i64: 2000, 128>}, {transform_indices = @transform_1, window_bounds = array<i64: 2, 2000, 128>}, {transform_indices = @transform_2, window_bounds = array<i64: 2, 2000, 128>}, {pipeline_mode = #tpu.pipeline_mode<synchronous>, transform_indices = @transform_3, window_bounds = array<i64: 128, 128>}, {pipeline_mode = #tpu.pipeline_mode<synchronous>, transform_indices = @transform_4, window_bounds = array<i64: 128, 128>}, {pipeline_mode = #tpu.pipeline_mode<synchronous>, transform_indices = @transform_5, window_bounds = array<i64: 1, 128>}, {transform_indices = @transform_6, window_bounds = array<i64: 2000, 128>}]} {
    %get3A = arith.constant 0 : index
    %get3A_0 = arith.constant 0 : index
    %get3A_1 = arith.constant 0 : index
    %get3A_2 = vector.load %arg2[%get3A, %get3A_0, %get3A_1] : memref<2x2000x128xf32, #tpu.memory_space<vmem>>, vector<1x2000x128xf32>
    %get3A_3 = vector.shape_cast %get3A_2 : vector<1x2000x128xf32> to vector<2000x128xf32>
    %get3A_4 = arith.constant 1 : index
    %get3A_5 = arith.constant 0 : index
    %get3A_6 = arith.constant 0 : index
    %get3A_7 = vector.load %arg2[%get3A_4, %get3A_5, %get3A_6] : memref<2x2000x128xf32, #tpu.memory_space<vmem>>, vector<1x2000x128xf32>
    %get3A_8 = vector.shape_cast %get3A_7 : vector<1x2000x128xf32> to vector<2000x128xf32>
    %add3A = arith.addf %get3A_3, %get3A_8 : vector<2000x128xf32>
    %get3A_9 = arith.constant 0 : index
    %get3A_10 = arith.constant 0 : index
    %get3A_11 = arith.constant 0 : index
    %get3A_12 = vector.load %arg3[%get3A_9, %get3A_10, %get3A_11] : memref<2x2000x128xf32, #tpu.memory_space<vmem>>, vector<1x2000x128xf32>
    %get3A_13 = vector.shape_cast %get3A_12 : vector<1x2000x128xf32> to vector<2000x128xf32>
    %get3A_14 = arith.constant 1 : index
    %get3A_15 = arith.constant 0 : index
    %get3A_16 = arith.constant 0 : index
    %get3A_17 = vector.load %arg3[%get3A_14, %get3A_15, %get3A_16] : memref<2x2000x128xf32, #tpu.memory_space<vmem>>, vector<1x2000x128xf32>
    %get3A_18 = vector.shape_cast %get3A_17 : vector<1x2000x128xf32> to vector<2000x128xf32>
    %add3A_19 = arith.addf %get3A_13, %get3A_18 : vector<2000x128xf32>
    %max3A = arith.constant 1.000000e+00 : f32
    %max3A_20 = vector.broadcast %max3A : f32 to vector<2000x128xf32>
    %max3A_21 = arith.maximumf %add3A_19, %max3A_20 : vector<2000x128xf32>
    %div3A = arith.constant 1.000000e+00 : f32
    %div3A_22 = vector.broadcast %div3A : f32 to vector<2000x128xf32>
    %div3A_23 = arith.divf %div3A_22, %max3A_21 : vector<2000x128xf32>
    %get3A_24 = arith.constant 0 : index
    %get3A_25 = arith.constant 0 : index
    %get3A_26 = vector.load %arg1[%get3A_24, %get3A_25] : memref<2000x128xf32, #tpu.memory_space<vmem>>, vector<2000x128xf32>
    %get3A_27 = arith.constant 0 : index
    %get3A_28 = arith.constant 0 : index
    %get3A_29 = vector.load %arg4[%get3A_27, %get3A_28] : memref<128x128xf32, #tpu.memory_space<vmem>>, vector<128x128xf32>
    %dot_general3A = arith.constant dense<0.000000e+00> : vector<2000x128xf32>
    %dot_general3A_30 = tpu.matmul %get3A_26, %get3A_29, %dot_general3A {dimension_numbers = #tpu.dot_dimension_numbers<[1], [0], [0], [1], [0, 0, 1, 1], [], []>, precision = #tpu.contract_precision<fp32>, transpose_lhs_hint = false} : vector<2000x128xf32>, vector<128x128xf32>, vector<2000x128xf32> -> vector<2000x128xf32>
    %get3A_31 = arith.constant 0 : index
    %get3A_32 = arith.constant 0 : index
    %get3A_33 = vector.load %arg5[%get3A_31, %get3A_32] : memref<128x128xf32, #tpu.memory_space<vmem>>, vector<128x128xf32>
    %dot_general3A_34 = arith.constant dense<0.000000e+00> : vector<2000x128xf32>
    %dot_general3A_35 = tpu.matmul %dot_general3A_30, %get3A_33, %dot_general3A_34 {dimension_numbers = #tpu.dot_dimension_numbers<[1], [0], [0], [1], [0, 0, 1, 1], [], []>, precision = #tpu.contract_precision<fp32>, transpose_lhs_hint = false} : vector<2000x128xf32>, vector<128x128xf32>, vector<2000x128xf32> -> vector<2000x128xf32>
    %mul3A = arith.mulf %add3A, %div3A_23 : vector<2000x128xf32>
    %add3A_36 = arith.addf %dot_general3A_35, %mul3A : vector<2000x128xf32>
    %get3A_37 = arith.constant 0 : index
    %get3A_38 = arith.constant 0 : index
    %get3A_39 = vector.load %arg6[%get3A_37, %get3A_38] : memref<1x128xf32, #tpu.memory_space<vmem>>, vector<1x128xf32>
    %add3A_40 = vector.broadcast %get3A_39 : vector<1x128xf32> to vector<2000x128xf32>
    %add3A_41 = arith.addf %add3A_36, %add3A_40 : vector<2000x128xf32>
    %swap3A = arith.constant 0 : index
    %swap3A_42 = arith.constant 0 : index
    %swap3A_43 = vector.load %arg7[%swap3A, %swap3A_42] : memref<2000x128xf32, #tpu.memory_space<vmem>>, vector<2000x128xf32>
    tpu.vector_store %arg7[%swap3A, %swap3A_42], %add3A_41 {strides = array<i32>} : memref<2000x128xf32, #tpu.memory_space<vmem>>, vector<2000x128xf32>,
    return
  }
  func.func @transform_0(%arg0: i32) -> (i32, i32) {
    %c0_i32 = arith.constant 0 : i32
    %c0_i32_0 = arith.constant 0 : i32
    return %arg0, %c0_i32 : i32, i32
  }
  func.func @transform_1(%arg0: i32) -> (i32, i32, i32) {
    %c0_i32 = arith.constant 0 : i32
    %c0_i32_0 = arith.constant 0 : i32
    %c0_i32_1 = arith.constant 0 : i32
    return %c0_i32, %arg0, %c0_i32_0 : i32, i32, i32
  }
  func.func @transform_2(%arg0: i32) -> (i32, i32, i32) {
    %c0_i32 = arith.constant 0 : i32
    %c0_i32_0 = arith.constant 0 : i32
    %c0_i32_1 = arith.constant 0 : i32
    return %c0_i32, %arg0, %c0_i32_0 : i32, i32, i32
  }
  func.func @transform_3(%arg0: i32) -> (i32, i32) {
    %c0_i32 = arith.constant 0 : i32
    %c0_i32_0 = arith.constant 0 : i32
    %c0_i32_1 = arith.constant 0 : i32
    return %c0_i32, %c0_i32_0 : i32, i32
  }
  func.func @transform_4(%arg0: i32) -> (i32, i32) {
    %c0_i32 = arith.constant 0 : i32
    %c0_i32_0 = arith.constant 0 : i32
    %c0_i32_1 = arith.constant 0 : i32
    return %c0_i32, %c0_i32_0 : i32, i32
  }
  func.func @transform_5(%arg0: i32) -> (i32, i32) {
    %c0_i32 = arith.constant 0 : i32
    %c0_i32_0 = arith.constant 0 : i32
    %c0_i32_1 = arith.constant 0 : i32
    return %c0_i32, %c0_i32_0 : i32, i32
  }
  func.func @transform_6(%arg0: i32) -> (i32, i32) {
    %c0_i32 = arith.constant 0 : i32
    %c0_i32_0 = arith.constant 0 : i32
    return %arg0, %c0_i32 : i32, i32
  }
}

</mosaic_0001>

<sc_bundles>
// kernel: kernel.11.cloned.1.call-start
scs
__scs_entry_jumppad:
0x0: {  	(pc) =	sbr.rel $0x88, $3  }
0x1: {  	(tag) =	ssettag $0x0;
	lr =	simm.s32 $0x1  }
0x2: {  	[smem:$0x3F97] =	sst lr;
	_ =	strace $0xD0000000  }
0x3: {  	_ = 	snop  }
0x4: {  	_ = 	snop  }
0x5: {  	_ = 	snop  }
0x6: {  	_ = 	snop  }
0x7: {  	_ = 	snop  }
__scs_overlays_trampoline_lowered:
0x8: {  	[smem:$0x3FA6] =	sst s0  }
0x9: {  	[smem:$0x3FA7] =	sst s1  }
0xa: {  	[smem:$0x3FA8] =	sst s2  }
0xb: {  	[smem:$0x3FA9] =	sst s3  }
0xc: {  	[smem:$0x3FAA] =	sst s4  }
0xd: {  	[smem:$0x3FAB] =	sst s5  }
0xe: {  	[smem:$0x3FAC] =	sst s6  }
0xf: {  	[smem:$0x3FAD] =	sst s7  }
0x10: {  	[smem:$0x3FAE] =	sst s8  }
0x11: {  	[smem:$0x3FAF] =	sst s9;
	s0 =	simm.s32 @!p0 $0x0  }
0x12: {  	s1 =	sld [smem:$0x3F95];
	s0 =	simm.s32 @p0 $0x1  }
0x13: {  	[smem:$0x3FB0] =	sst s0;
	s0 =	simm.s32 @!p1 $0x0  }
0x14: {  	s2 =	sld [smem:$0x3F94];
	s0 =	simm.s32 @p1 $0x1  }
0x15: {  	[smem:$0x3FB1] =	sst s0;
	s0 =	simm.s32 @!p2 $0x0  }
0x16: {  	s3 =	sld [smem:$0x3FDB];
	s0 =	simm.s32 @p2 $0x1  }
0x17: {  	s4 =	simm.s32 $0x1BF5;
	[smem:$0x3FB3] =	sst s0  }
0x18: {  	s0 =	sld [smem:$0x3F96];
	_ =	swait.ge [sflag:s4], $0x0  }
0x19: {  	s7 =	sld [smem:$0x3F97]  }
0x1a: {  	s8 =	sadd.s32 $0xFFFFE003, lr  }
0x1b: {  	s9 =	sadd.s32 $0xFFFFFEF7, lr;
	s5 =	simm.s32 $0xFFFFFFFF;
	p2 =	slt.u32 s8, $0xFFFFF086  }
0x1c: {  	p1 =	slt.u32 s9, $0xF7A;
	s5 =	simm.s32 @!p2 $0x0  }
0x1d: {  	s5 =	simm.s32 @p1 $0x1;
	p0 =	seq.s32 s7, s2  }
0x1e: {  	s7 =	smul.u32 @!p0 $0xF7A, s2;
	p2 =	seq.s32 @!p0 s5, $0x0  }
0x1f: {  	s9 =	smul.u32 $0xF7A, s1;
	s8 =	simm.s32 @!p0 $0x1BF5;
	p2 =	por !p2, p0  }
0x20: {  	[sflag:s8] =	ssyncset.s32 @!p0 $0xFFFFF086;
	s6 =	sadd.s32 @!p0 s3, s7;
	s7 =	simm.s32 @!p0 $0x108  }
0x21: {  	s3 =	sadd.s32 s3, s9;
	s6 =	sadd.s32 @!p0 $0x88, s6;
	s7 =	simm.s32 @p2 $0x1082  }
0x22: {  	[simem:s7], [sflag:s8] =	dma.local @!p0 [hbm:s6], $0xF7A  }
0x23: {  	s9 =	sor.u32 $0xD0000000, s2;
	s6 =	simm.s32 $0x108;
	_ =	swait.ge @!p0 [sflag:s8], $0x0  }
0x24: {  	s3 =	sadd.s32 $0x88, s3;
	s6 =	simm.s32 @!p1 $0x1082;
	[sflag:s4] =	ssyncset.s32 $0xFFFFF086  }
0x25: {  	[simem:s6], [sflag:s4] =	dma.local [hbm:s3], $0xF7A  }
0x26: {  	[smem:$0x3F97] =	sst s1;
	(tag) =	ssettag s2;
	_ =	strace s9  }
0x27: {  	s1 =	sld [smem:$0x3FA7]  }
0x28: {  	s2 =	sld [smem:$0x3FA8]  }
0x29: {  	s4 =	sld [smem:$0x3FAA]  }
0x2a: {  	p0 =	seq.s32 s5, $0x0;
	s5 =	sld [smem:$0x3FAB]  }
0x2b: {  	s6 =	sld [smem:$0x3FAC]  }
0x2c: {  	s7 =	sld [smem:$0x3FAD]  }
0x2d: {  	s3 =	simm.s32 $0x108;
	s8 =	sld [smem:$0x3FAE]  }
0x2e: {  	s3 =	simm.s32 @!p0 $0x1082;
	s9 =	sld [smem:$0x3FAF]  }
0x2f: {  	lr =	sadd.s32 s0, s3;
	s0 =	sld [smem:$0x3FA6]  }
0x30: {  	s3 =	sld [smem:$0x3FA9]  }
0x31: {  	[smem:$0x3FB2] =	sst s10  }
0x32: {  	s10 =	sld [smem:$0x3FB0];
	_ =	sdelay $0x3  }
0x33: {  	p0 =	seq.s32 s10, $0x1;
	s10 =	sld [smem:$0x3FB2];
	_ =	sdelay $0x3  }
0x34: {  	[smem:$0x3FB2] =	sst s10  }
0x35: {  	s10 =	sld [smem:$0x3FB1];
	_ =	sdelay $0x3  }
0x36: {  	p1 =	seq.s32 s10, $0x1;
	s10 =	sld [smem:$0x3FB2];
	_ =	sdelay $0x3  }
0x37: {  	[smem:$0x3FB2] =	sst s10  }
0x38: {  	s10 =	sld [smem:$0x3FB3]  }
0x39: {  	_ = 	snop;
	(pc) =	sbr.ind lr, $3  }
0x3a: {  	_ = 	snop  }
0x3b: {  	_ = 	snop  }
0x3c: {  	p2 =	seq.s32 s10, $0x1;
	s10 =	sld [smem:$0x3FB2]  }
0x3d: {  	_ =	shalt  }
0x3e: {  	_ =	shalt  }
0x3f: {  	_ =	shalt  }
0x40: {  	_ =	shalt  }
0x41: {  	_ =	shalt  }
0x42: {  	_ =	shalt  }
0x43: {  	_ =	shalt  }
0x44: {  	_ =	shalt  }
0x45: {  	_ =	shalt  }
0x46: {  	_ =	shalt  }
0x47: {  	_ =	shalt  }
0x48: {  	_ =	shalt  }
0x49: {  	_ =	shalt  }
0x4a: {  	_ =	shalt  }
0x4b: {  	_ =	shalt  }
0x4c: {  	_ =	shalt  }
0x4d: {  	_ =	shalt  }
0x4e: {  	_ =	shalt  }
0x4f: {  	_ =	shalt  }
0x50: {  	_ =	shalt  }
0x51: {  	_ =	shalt  }
0x52: {  	_ =	shalt  }
0x53: {  	_ =	shalt  }
0x54: {  	_ =	shalt  }
0x55: {  	_ =	shalt  }
0x56: {  	_ =	shalt  }
0x57: {  	_ =	shalt  }
0x58: {  	_ =	shalt  }
0x59: {  	_ =	shalt  }
0x5a: {  	_ =	shalt  }
0x5b: {  	_ =	shalt  }
0x5c: {  	_ =	shalt  }
0x5d: {  	_ =	shalt  }
0x5e: {  	_ =	shalt  }
0x5f: {  	_ =	shalt  }
0x60: {  	_ =	shalt  }
0x61: {  	_ =	shalt  }
0x62: {  	_ =	shalt  }
0x63: {  	_ =	shalt  }
0x64: {  	_ =	shalt  }
0x65: {  	_ =	shalt  }
0x66: {  	_ =	shalt  }
0x67: {  	_ =	shalt  }
0x68: {  	_ =	shalt  }
0x69: {  	_ =	shalt  }
0x6a: {  	_ =	shalt  }
0x6b: {  	_ =	shalt  }
0x6c: {  	_ =	shalt  }
0x6d: {  	_ =	shalt  }
0x6e: {  	_ =	shalt  }
0x6f: {  	_ =	shalt  }
0x70: {  	_ =	shalt  }
0x71: {  	_ =	shalt  }
0x72: {  	_ =	shalt  }
0x73: {  	_ =	shalt  }
0x74: {  	_ =	shalt  }
0x75: {  	_ =	shalt  }
0x76: {  	_ =	shalt  }
0x77: {  	_ =	shalt  }
0x78: {  	_ =	shalt  }
0x79: {  	_ =	shalt  }
0x7a: {  	_ =	shalt  }
0x7b: {  	_ =	shalt  }
0x7c: {  	_ =	shalt  }
0x7d: {  	_ =	shalt  }
0x7e: {  	_ =	shalt  }
0x7f: {  	_ =	shalt  }
0x80: {  	_ =	shalt  }
0x81: {  	_ =	shalt  }
0x82: {  	_ =	shalt  }
0x83: {  	_ =	shalt  }
0x84: {  	_ =	shalt  }
0x85: {  	_ =	shalt  }
0x86: {  	_ =	shalt  }
0x87: {  	_ =	shalt  }
.Lfunc_end0:
.L_simem_size_0:
called_computation.1_lowered:
.L_overlay_start_0:
0x88: {  	s2 =	sld [smem:$0x3FD9]  }
0x89: {  	s3 =	sld [smem:$0x3FFE];
	_ =	sdelay $0x1  }
0x8a: {  	s1 =	srdreg.scid  }
0x8b: {  	s0 =	sand.u32 $0x1, s1  }
0x8c: {  	s17 =	sshll.u32 s0, $0xA;
	s2 =	sadd.s32 s3, s2  }
0x8d: {  	s2 =	sadd.s32 s2, s17  }
0x8e: {  	[smem:$0x3FBE] =	sst s2  }
0x8f: {  	_ = 	snop  }
0x90: {  	s2 =	sld [smem:$0x3FD0];
	(tm) =	ssettm $0x1  }
0x91: {  	s18 =	sld [smem:$0x3FFB];
	_ =	sdelay $0x3  }
0x92: {  	_ =	strace s18  }
0x93: {  	s3 =	sld [smem:$0x3FFC];
	_ =	sdelay $0x3  }
0x94: {  	_ =	strace s3  }
0x95: {  	s3 =	sld [smem:$0x3FFD];
	_ =	sdelay $0x3  }
0x96: {  	_ =	strace s3  }
0x97: {  	_ =	strace $0x8FFFFFFF  }
0x98: {  	s19 =	sld [smem:$0x3FDB];
	_ =	sdelay $0x1  }
0x99: {  	s4 =	simm.s32 $_scs_section_size  }
0x9a: {  	s5 =	simm.s32 $_size__tile_overlayer_lowered;
	s6 =	simm.s32 $_tile_overlayer_lowered  }
0x9b: {  	s22 =	simm.s32 $0x1BFF;
	s21 =	sshll.u32 s6, $0x1;
	s3 =	sadd.s32 s4, s19  }
0x9c: {  	s7 =	simm.s32 $0x0;
	s20 =	sshll.u32 s5, $0x1;
	s5 =	sadd.s32 s21, s3  }
0x9d: {  	[timem:s7], [sflag:s22] =	dma.local [hbm:s5], s20  }
0x9e: {  	_ =	swait.ge [sflag:s22], s20  }
0x9f: {  	s4 =	ssub.s32 $0x0, s20;
	[sflag:s22] =	ssyncset.done $0x0  }
0xa0: {  	[sflag:s22] =	ssyncadd.s32 s4;
	_ =	sdelay $0x1  }
0xa1: {  	s23 =	simm.s32 $0x1B8B  }
0xa2: {  	_ =	swait.ge [sflag:s23], $0x1  }
0xa3: {  	[sflag:s23] =	ssyncset.done $0x0  }
0xa4: {  	s25 =	simm.s32 $0x1B8E;
	s24 =	sld [smem:$0x3FFE];
	[sflag:s23] =	ssyncadd.s32 $0xFFFFFFFF  }
0xa5: {  	s26 =	simm.s32 $execute0_lowered;
	[smem:$0x3FD2] =	sst s25  }
0xa6: {  	s5 =	sshll.u32 s26, $0x1;
	_ =	strace $0x80000046;
	[dreg:$0x1] =	wrdreg $0xFFFFFFFF  }
0xa7: {  	s28 =	simm.s32 $_size_execute0_lowered;
	s3 =	sadd.s32 s3, s5;
	[dreg:$0x0] =	wrdreg $0x0  }
0xa8: {  	s5 =	sshll.u32 s28, $0x1;
	[dreg:$0x2] =	wrdreg s3  }
0xa9: {  	[dreg:$0x3] =	wrdreg s5  }
0xaa: {  	[dreg:$0x4] =	wrdreg $0xC0  }
0xab: {  	_ =	task [dreg:s7], $0x5FFFF  }
0xac: {  	[dreg:$0x1] =	wrdreg $0xFFFFFFFF  }
0xad: {  	[dreg:$0x0] =	wrdreg $0x60  }
0xae: {  	[dreg:$0x2] =	wrdreg s2  }
0xaf: {  	[dreg:$0x3] =	wrdreg s24  }
0xb0: {  	[dreg:$0x4] =	wrdreg $0x41000  }
0xb1: {  	[dreg:$0x5] =	wrdreg $0xA  }
0xb2: {  	_ =	task.clear_ibuf [dreg:s7], $0x6FFFF;
	_ =	strace $0x90000046  }
0xb3: {  	s29 =	simm.s32 $0xA;
	_ =	strace $0x80000048  }
0xb4: {  	_ =	swait.ge [sflag:s29], $0x1  }
0xb5: {  	[sflag:s29] =	ssyncadd.s32 $0xFFFFFFFF  }
0xb6: {  	_ =	strace $0x90000048  }
0xb7: {  	_ =	sfence  }
0xb8: {  	s30 =	sld [smem:$0x0];
	_ =	sdelay $0x2  }
0xb9: {  	s31 =	sshll.u32 s1, $0xD;
	s1 =	sshrl.u32 s1, $0x2  }
0xba: {  	s3 =	sand.u32 $0x4000, s31;
	s1 =	sadd.s32 s1, s30  }
0xbb: {  	s0 =	sor.u32 s3, s0;
	s1 =	sshll.u32 s1, $0x11  }
0xbc: {  	s0 =	sor.u32 s1, s0  }
0xbd: {  	s0 =	sadd.s32 $0x8F2B, s0  }
0xbe: {  	[sflag:s0] =	ssyncadd.remote.s32 $0x1  }
0xbf: {  	_ =	sfence.sel $0xFFFF  }
0xc0: {  	[dreg:$0x0] =	wrdreg $0xFFFFFFFF;
	(pc) =	sbr.abs _section_cstart, $3  }
0xc1: {  	[dreg:$0x1] =	wrdreg $0xFFFFFFFF  }
0xc2: {  	_ =	task.clear_ibuf [dreg:s7], $0x2FFFF;
	_ =	strace $0x9FFFFFFF  }
0xc3: {  	(tm) =	ssettm $0x7FFFFFFF  }
tec
execute0_lowered:
.L_overlay_start_1:
0x0: {  	(tag) =	ssettag $0x1  }
0x1: {  	s1 =	rddreg [dreg:$0x0]  }
0x2: {  	s5 =	rddreg [dreg:$0x1]  }
0x3: {  	s0 =	srdreg.scid;
	s3 =	rddreg [dreg:$0x2]  }
0x4: {  	s2 =	rddreg [dreg:$0x3];
	s6 =	sand.u32 $0x1, s0  }
0x5: {  	s0 =	stileid.u32;
	s7 =	smul.u32 $0x13C000, s6  }
0x6: {  	s4 =	simm.s32 $0x0;
	s15 =	simm.s32 $0x2;
	s8 =	smul.u32 $0x13C00, s0  }
0x7: {  	s16 =	simm.s32 $0x80;
	s17 =	simm.s32 $0x1;
	s9 =	smul.u32 $0x5000, s6  }
0x8: {  	s20 =	simm.s32 $0x0;
	[smem:$0x7FF] =	sst s4;
	s29 =	smul.u32 $0x4F000, s0  }
0x9: {  	_ =	strace $0x80000047;
	s6 =	ssub.s32 $0x2, s6;
	s18 =	sshll.u32 s0, $0x6  }
0xa: {  	s12 =	smul.u32 $0x500, s0;
	s31 =	sshrl.u32 s6, $0x1;
	s18 =	sor.u32 $0x1C02, s18  }
0xb: {  	s7 =	sadd.s32 s8, s7;
	s10 =	sadd.s32 s9, s5;
	s30 =	sshrl.u32 s29, $0x2  }
0xc: {  	s13 =	ssub.s32 s6, s31;
	s7 =	sshrl.u32 s7, $0x3;
	s14 =	sadd.s32 s12, s10  }
0xd: {  	s11 =	sadd.s32 s7, s5;
	s5 =	sadd.s32 s30, s3;
	s12 =	sadd.s32 $0x2000, s14  }
0xe: {  	s6 =	sadd.s32 $0x4000, s5;
	s7 =	sadd.s32 $0x8000, s5;
	s8 =	sadd.s32 $0xC000, s5  }
0xf: {  	s9 =	sadd.s32 $0x10000, s5;
	s10 =	sadd.s32 $0x16000, s11;
	s11 =	smax.u32 s13, $0x1  }
0x10: {  	v0 =	vimm.f32 $0.0e+00;
	s13 =	sadd.s32 $0xC000, s14;
	s14 =	simm.s32 $0x100;
	s19 =	sshrl.u32 s5, $0x3  }
.LBB2_1:
0x11: {  	s21 =	simm.s32 $0x0;
	s22 =	simm.s32 $0x200  }
.LBB2_2:
0x12: {  	p0 =	sne.s32 s22, $0xFE00;
	[tilespmem:s21+$0x170] =	vst v0  }
0x13: {  	[tilespmem:s21+$0x100] =	vst v0  }
0x14: {  	[tilespmem:s21+$0x110] =	vst v0  }
.Ltmp0:
0x15: {  	[tilespmem:s21+$0x120] =	vst v0;
	(pc) =	sbr.rel @p0 .LBB2_2-.Ltmp0, $4  }
0x16: {  	[tilespmem:s21+$0x130] =	vst v0  }
0x17: {  	[tilespmem:s21+$0x140] =	vst v0  }
0x18: {  	[tilespmem:s21+$0x150] =	vst v0  }
0x19: {  	[tilespmem:s21+$0x160] =	vst v0;
	s21 =	sshra.s32 s22, $0x2;
	s22 =	sadd.s32 $0x200, s22  }
0x1a: {  	[tilespmem:s21+$0x170] =	vst v0  }
0x1b: {  	[tilespmem:s21+$0x100] =	vst v0  }
0x1c: {  	[tilespmem:s21+$0x110] =	vst v0  }
0x1d: {  	[tilespmem:s21+$0x120] =	vst v0  }
0x1e: {  	[tilespmem:s21+$0x130] =	vst v0  }
0x1f: {  	[tilespmem:s21+$0x140] =	vst v0  }
0x20: {  	[tilespmem:s21+$0x150] =	vst v0  }
0x21: {  	[tilespmem:s21+$0x160] =	vst v0  }
0x22: {  	[spmem:s5] =	stream.linear.scatter [tilespmem:s14], [sflag:$0x2], $0x4000, $0x38;
	[tilespmem:$0x17D00] =	vst v63  }
0x23: {  	_ =	swait.ge [sflag:s15], $0x4000  }
0x24: {  	[sflag:s15] =	ssyncset.done $0x0  }
0x25: {  	[sflag:s15] =	ssyncadd.s32 $0xFFFFC000  }
0x26: {  	[spmem:s6] =	stream.linear.scatter [tilespmem:s14], [sflag:$0x2], $0x4000, $0x38;
	[tilespmem:$0x17D00] =	vst v63  }
0x27: {  	_ =	swait.ge [sflag:s15], $0x4000  }
0x28: {  	[sflag:s15] =	ssyncset.done $0x0  }
0x29: {  	[sflag:s15] =	ssyncadd.s32 $0xFFFFC000  }
0x2a: {  	[spmem:s7] =	stream.linear.scatter [tilespmem:s14], [sflag:$0x2], $0x4000, $0x38;
	[tilespmem:$0x17D00] =	vst v63  }
0x2b: {  	_ =	swait.ge [sflag:s15], $0x4000  }
0x2c: {  	[sflag:s15] =	ssyncset.done $0x0  }
0x2d: {  	[sflag:s15] =	ssyncadd.s32 $0xFFFFC000  }
0x2e: {  	[spmem:s8] =	stream.linear.scatter [tilespmem:s14], [sflag:$0x2], $0x4000, $0x38;
	[tilespmem:$0x17D00] =	vst v63  }
0x2f: {  	_ =	swait.ge [sflag:s15], $0x4000  }
0x30: {  	[sflag:s15] =	ssyncset.done $0x0  }
0x31: {  	[sflag:s15] =	ssyncadd.s32 $0xFFFFC000  }
0x32: {  	[spmem:s9] =	stream.linear.scatter [tilespmem:s14], [sflag:$0x2], $0x3C00, $0x38;
	[tilespmem:$0x17D00] =	vst v63  }
0x33: {  	_ =	swait.ge [sflag:s15], $0x3C00  }
0x34: {  	[sflag:s15] =	ssyncset.done $0x0  }
0x35: {  	[sflag:s15] =	ssyncadd.s32 $0xFFFFC400  }
0x36: {  	s30 =	sadd.s32 $0x0, s13;
	[bflag:$0x0] =	sbarrier.arrive $0xFFFF  }
0x37: {  	[tilespmem:s4], [sflag:$0x2] =	stream.linear.gather [hbm4b:s30+s4], $0x80, $0x38;
	[tilespmem:$0x17D00] =	vst v63  }
0x38: {  	_ =	swait.ge [sflag:s15], $0x80  }
0x39: {  	[sflag:s15] =	ssyncset.done $0x0  }
0x3a: {  	s31 =	sadd.s32 $0x0, s12;
	[sflag:s15] =	ssyncadd.s32 $0xFFFFFF80  }
0x3b: {  	[tilespmem:s16], [sflag:$0x2] =	stream.linear.gather [hbm4b:s31+s4], $0x80, $0x38;
	[tilespmem:$0x17D00] =	vst v63  }
0x3c: {  	_ =	swait.ge [sflag:s15], $0x80  }
0x3d: {  	[sflag:s15] =	ssyncset.done $0x0  }
0x3e: {  	[sflag:s15] =	ssyncadd.s32 $0xFFFFFF80  }
0x3f: {  	[tilespmem:s14], [sflag:$0x1] =	stream.indirect.gather [hbm4b:s1+s16], $0x80, s4, s16, $0xb8;
	[tilespmem:$0x17D00] =	vst v63  }
0x40: {  	_ =	swait.ge [sflag:s17], $0x4000  }
0x41: {  	[sflag:s17] =	ssyncset.done $0x0  }
0x42: {  	[sflag:s17] =	ssyncadd.s32 $0xFFFFC000  }
0x43: {  	[spmem:s3] =	stream.indirect.scatter.add.f32 [tilespmem:s14], [sflag:$0x2], $0x80, s16, s16, $0xb8;
	[tilespmem:$0x17D00] =	vst v63  }
0x44: {  	_ =	swait.ge [sflag:s15], $0x4000  }
0x45: {  	s21 =	simm.s32 $0x10;
	s22 =	simm.s32 $0x20;
	[sflag:s15] =	ssyncset.done $0x0  }
.LBB2_4:
0x46: {  	s23 =	sadd.s32 s21, s13  }
0x47: {  	[sflag:s15] =	ssyncadd.s32 $0xFFFFC000;
	s24 =	smov.u32 s22;
	s25 =	sadd.s32 $0x10, s22  }
0x48: {  	[tilespmem:s4], [sflag:$0x2] =	stream.linear.gather [hbm4b:s23+s4], $0x80, $0x38;
	[tilespmem:$0x17D00] =	vst v63  }
0x49: {  	p0 =	sne.s32 s22, $0x4F0;
	_ =	swait.ge [sflag:s15], $0x80  }
0x4a: {  	[sflag:s15] =	ssyncset.done $0x0  }
0x4b: {  	s22 =	sadd.s32 s21, s12;
	s21 =	smov.u32 s24;
	[sflag:s15] =	ssyncadd.s32 $0xFFFFFF80  }
0x4c: {  	[tilespmem:s16], [sflag:$0x2] =	stream.linear.gather [hbm4b:s22+s4], $0x80, $0x38;
	[tilespmem:$0x17D00] =	vst v63  }
0x4d: {  	_ =	swait.ge [sflag:s15], $0x80  }
0x4e: {  	[sflag:s15] =	ssyncset.done $0x0  }
0x4f: {  	[sflag:s15] =	ssyncadd.s32 $0xFFFFFF80  }
0x50: {  	[tilespmem:s14], [sflag:$0x1] =	stream.indirect.gather [hbm4b:s1+s16], $0x80, s4, s16, $0xb8;
	[tilespmem:$0x17D00] =	vst v63  }
0x51: {  	_ =	swait.ge [sflag:s17], $0x4000  }
.Ltmp1:
0x52: {  	[sflag:s17] =	ssyncset.done $0x0;
	(pc) =	sbr.rel @p0 .LBB2_4-.Ltmp1, $4  }
0x53: {  	[sflag:s17] =	ssyncadd.s32 $0xFFFFC000  }
0x54: {  	[spmem:s3] =	stream.indirect.scatter.add.f32 [tilespmem:s14], [sflag:$0x2], $0x80, s16, s16, $0xb8;
	[tilespmem:$0x17D00] =	vst v63  }
0x55: {  	_ =	swait.ge [sflag:s15], $0x4000  }
0x56: {  	s22 =	smov.u32 s25;
	[sflag:s15] =	ssyncset.done $0x0  }
0x57: {  	s22 =	sadd.s32 s21, s13;
	[sflag:s15] =	ssyncadd.s32 $0xFFFFC000  }
0x58: {  	[tilespmem:s4], [sflag:$0x2] =	stream.linear.gather [hbm4b:s22+s4], $0x80, $0x38;
	[tilespmem:$0x17D00] =	vst v63  }
0x59: {  	_ =	swait.ge [sflag:s15], $0x80  }
0x5a: {  	[sflag:s15] =	ssyncset.done $0x0  }
0x5b: {  	s31 =	sadd.s32 s21, s12;
	[sflag:s15] =	ssyncadd.s32 $0xFFFFFF80  }
0x5c: {  	[tilespmem:s16], [sflag:$0x2] =	stream.linear.gather [hbm4b:s31+s4], $0x80, $0x38;
	[tilespmem:$0x17D00] =	vst v63  }
0x5d: {  	_ =	swait.ge [sflag:s15], $0x80  }
0x5e: {  	[sflag:s15] =	ssyncset.done $0x0  }
0x5f: {  	[sflag:s15] =	ssyncadd.s32 $0xFFFFFF80  }
0x60: {  	[tilespmem:s14], [sflag:$0x1] =	stream.indirect.gather [hbm4b:s1+s16], $0x80, s4, s16, $0xb8;
	[tilespmem:$0x17D00] =	vst v63  }
0x61: {  	_ =	swait.ge [sflag:s17], $0x4000  }
0x62: {  	[sflag:s17] =	ssyncset.done $0x0  }
0x63: {  	[sflag:s17] =	ssyncadd.s32 $0xFFFFC000  }
0x64: {  	[spmem:s3] =	stream.indirect.scatter.add.f32 [tilespmem:s14], [sflag:$0x2], $0x80, s16, s16, $0xb8;
	[tilespmem:$0x17D00] =	vst v63  }
0x65: {  	_ =	swait.ge [sflag:s15], $0x4000  }
0x66: {  	s20 =	sadd.s32 $0x1, s20;
	[sflag:s15] =	ssyncset.done $0x0  }
0x67: {  	p0 =	sne.s32 s20, s11;
	[sflag:s15] =	ssyncadd.s32 $0xFFFFC000  }
.Ltmp2:
0x68: {  	[bflag:$0x0] =	sbarrier.arrive $0xFFFF;
	(pc) =	sbr.rel @p0 .LBB2_1-.Ltmp2, $4  }
0x69: {  	[hbm:s10], [sflag:s18] =	dma.local [spmem:s19], $0x2780  }
0x6a: {  	_ =	swait.ge [sflag:s15], $0x2780  }
0x6b: {  	[sflag:s15] =	ssyncset.done $0x0  }
0x6c: {  	[sflag:s15] =	ssyncadd.s32 $0xFFFFD880  }
0x6d: {  	_ =	sfence.sel $0x180000  }
0x6e: {  	[bflag:$0x0] =	sbarrier.arrive $0xFFFF  }
0x6f: {  	p0 =	sne.s32 s0, $0x0;
	_ =	strace $0x90000047  }
0x70: {  	s0 =	sadd.s32 @!p0 $0x100000, s2;
	[bflag:$0x2] =	sbarrier.arrive $0xFFFF  }
0x71: {  	[sflag:s0] =	ssyncadd.tile.s32 @!p0 $0x1;
	_ =	shalt  }
.Lfunc_end2:
_tile_overlayer_lowered:
.L_overlay_start_2:
0x72: {  	(tag) =	ssettag $0x2  }
0x73: {  	s0 =	rddreg [dreg:$0x0];
	s2 =	stileid.u32  }
0x74: {  	s1 =	rddreg [dreg:$0x1];
	p0 =	sne.s32 s2, $0x0  }
0x75: {  	s3 =	rddreg [dreg:$0x2];
	[bflag:$0x3] =	sbarrier.arrive $0xFFFF;
	s2 =	simm.s32 @!p0 $0x1C02  }
0x76: {  	[timem:s3], [sflag:s2] =	dma.local @!p0 [hbm:s0], s1  }
0x77: {  	s0 =	simm.s32 @!p0 $0x2  }
0x78: {  	_ =	swait.ge @!p0 [sflag:s0], s1  }
0x79: {  	s1 =	ssub.s32 @!p0 $0x0, s1;
	[sflag:s0] =	ssyncset.done @!p0 $0x0  }
0x7a: {  	[sflag:s0] =	ssyncadd.s32 @!p0 s1  }
0x7b: {  	[bflag:$0x3] =	sbarrier.arrive $0xFFFF  }
0x7c: {  	_ =	shalt  }

// kernel: kernel.14.cloned.1.call-start
scs
__scs_entry_jumppad:
0x0: {  	(pc) =	sbr.rel $0x88, $3  }
0x1: {  	(tag) =	ssettag $0x0;
	lr =	simm.s32 $0x1  }
0x2: {  	[smem:$0x3F97] =	sst lr;
	_ =	strace $0xD0000000  }
0x3: {  	_ = 	snop  }
0x4: {  	_ = 	snop  }
0x5: {  	_ = 	snop  }
0x6: {  	_ = 	snop  }
0x7: {  	_ = 	snop  }
__scs_overlays_trampoline_lowered:
0x8: {  	[smem:$0x3FA6] =	sst s0  }
0x9: {  	[smem:$0x3FA7] =	sst s1  }
0xa: {  	[smem:$0x3FA8] =	sst s2  }
0xb: {  	[smem:$0x3FA9] =	sst s3  }
0xc: {  	[smem:$0x3FAA] =	sst s4  }
0xd: {  	[smem:$0x3FAB] =	sst s5  }
0xe: {  	[smem:$0x3FAC] =	sst s6  }
0xf: {  	[smem:$0x3FAD] =	sst s7  }
0x10: {  	[smem:$0x3FAE] =	sst s8  }
0x11: {  	[smem:$0x3FAF] =	sst s9;
	s0 =	simm.s32 @!p0 $0x0  }
0x12: {  	s1 =	sld [smem:$0x3F95];
	s0 =	simm.s32 @p0 $0x1  }
0x13: {  	[smem:$0x3FB0] =	sst s0;
	s0 =	simm.s32 @!p1 $0x0  }
0x14: {  	s2 =	sld [smem:$0x3F94];
	s0 =	simm.s32 @p1 $0x1  }
0x15: {  	[smem:$0x3FB1] =	sst s0;
	s0 =	simm.s32 @!p2 $0x0  }
0x16: {  	s3 =	sld [smem:$0x3FDB];
	s0 =	simm.s32 @p2 $0x1  }
0x17: {  	s4 =	simm.s32 $0x1BF5;
	[smem:$0x3FB3] =	sst s0  }
0x18: {  	s0 =	sld [smem:$0x3F96];
	_ =	swait.ge [sflag:s4], $0x0  }
0x19: {  	s7 =	sld [smem:$0x3F97]  }
0x1a: {  	s8 =	sadd.s32 $0xFFFFE003, lr  }
0x1b: {  	s9 =	sadd.s32 $0xFFFFFEF7, lr;
	s5 =	simm.s32 $0xFFFFFFFF;
	p2 =	slt.u32 s8, $0xFFFFF086  }
0x1c: {  	p1 =	slt.u32 s9, $0xF7A;
	s5 =	simm.s32 @!p2 $0x0  }
0x1d: {  	s5 =	simm.s32 @p1 $0x1;
	p0 =	seq.s32 s7, s2  }
0x1e: {  	s7 =	smul.u32 @!p0 $0xF7A, s2;
	p2 =	seq.s32 @!p0 s5, $0x0  }
0x1f: {  	s9 =	smul.u32 $0xF7A, s1;
	s8 =	simm.s32 @!p0 $0x1BF5;
	p2 =	por !p2, p0  }
0x20: {  	[sflag:s8] =	ssyncset.s32 @!p0 $0xFFFFF086;
	s6 =	sadd.s32 @!p0 s3, s7;
	s7 =	simm.s32 @!p0 $0x108  }
0x21: {  	s3 =	sadd.s32 s3, s9;
	s6 =	sadd.s32 @!p0 $0x88, s6;
	s7 =	simm.s32 @p2 $0x1082  }
0x22: {  	[simem:s7], [sflag:s8] =	dma.local @!p0 [hbm:s6], $0xF7A  }
0x23: {  	s9 =	sor.u32 $0xD0000000, s2;
	s6 =	simm.s32 $0x108;
	_ =	swait.ge @!p0 [sflag:s8], $0x0  }
0x24: {  	s3 =	sadd.s32 $0x88, s3;
	s6 =	simm.s32 @!p1 $0x1082;
	[sflag:s4] =	ssyncset.s32 $0xFFFFF086  }
0x25: {  	[simem:s6], [sflag:s4] =	dma.local [hbm:s3], $0xF7A  }
0x26: {  	[smem:$0x3F97] =	sst s1;
	(tag) =	ssettag s2;
	_ =	strace s9  }
0x27: {  	s1 =	sld [smem:$0x3FA7]  }
0x28: {  	s2 =	sld [smem:$0x3FA8]  }
0x29: {  	s4 =	sld [smem:$0x3FAA]  }
0x2a: {  	p0 =	seq.s32 s5, $0x0;
	s5 =	sld [smem:$0x3FAB]  }
0x2b: {  	s6 =	sld [smem:$0x3FAC]  }
0x2c: {  	s7 =	sld [smem:$0x3FAD]  }
0x2d: {  	s3 =	simm.s32 $0x108;
	s8 =	sld [smem:$0x3FAE]  }
0x2e: {  	s3 =	simm.s32 @!p0 $0x1082;
	s9 =	sld [smem:$0x3FAF]  }
0x2f: {  	lr =	sadd.s32 s0, s3;
	s0 =	sld [smem:$0x3FA6]  }
0x30: {  	s3 =	sld [smem:$0x3FA9]  }
0x31: {  	[smem:$0x3FB2] =	sst s10  }
0x32: {  	s10 =	sld [smem:$0x3FB0];
	_ =	sdelay $0x3  }
0x33: {  	p0 =	seq.s32 s10, $0x1;
	s10 =	sld [smem:$0x3FB2];
	_ =	sdelay $0x3  }
0x34: {  	[smem:$0x3FB2] =	sst s10  }
0x35: {  	s10 =	sld [smem:$0x3FB1];
	_ =	sdelay $0x3  }
0x36: {  	p1 =	seq.s32 s10, $0x1;
	s10 =	sld [smem:$0x3FB2];
	_ =	sdelay $0x3  }
0x37: {  	[smem:$0x3FB2] =	sst s10  }
0x38: {  	s10 =	sld [smem:$0x3FB3]  }
0x39: {  	_ = 	snop;
	(pc) =	sbr.ind lr, $3  }
0x3a: {  	_ = 	snop  }
0x3b: {  	_ = 	snop  }
0x3c: {  	p2 =	seq.s32 s10, $0x1;
	s10 =	sld [smem:$0x3FB2]  }
0x3d: {  	_ =	shalt  }
0x3e: {  	_ =	shalt  }
0x3f: {  	_ =	shalt  }
0x40: {  	_ =	shalt  }
0x41: {  	_ =	shalt  }
0x42: {  	_ =	shalt  }
0x43: {  	_ =	shalt  }
0x44: {  	_ =	shalt  }
0x45: {  	_ =	shalt  }
0x46: {  	_ =	shalt  }
0x47: {  	_ =	shalt  }
0x48: {  	_ =	shalt  }
0x49: {  	_ =	shalt  }
0x4a: {  	_ =	shalt  }
0x4b: {  	_ =	shalt  }
0x4c: {  	_ =	shalt  }
0x4d: {  	_ =	shalt  }
0x4e: {  	_ =	shalt  }
0x4f: {  	_ =	shalt  }
0x50: {  	_ =	shalt  }
0x51: {  	_ =	shalt  }
0x52: {  	_ =	shalt  }
0x53: {  	_ =	shalt  }
0x54: {  	_ =	shalt  }
0x55: {  	_ =	shalt  }
0x56: {  	_ =	shalt  }
0x57: {  	_ =	shalt  }
0x58: {  	_ =	shalt  }
0x59: {  	_ =	shalt  }
0x5a: {  	_ =	shalt  }
0x5b: {  	_ =	shalt  }
0x5c: {  	_ =	shalt  }
0x5d: {  	_ =	shalt  }
0x5e: {  	_ =	shalt  }
0x5f: {  	_ =	shalt  }
0x60: {  	_ =	shalt  }
0x61: {  	_ =	shalt  }
0x62: {  	_ =	shalt  }
0x63: {  	_ =	shalt  }
0x64: {  	_ =	shalt  }
0x65: {  	_ =	shalt  }
0x66: {  	_ =	shalt  }
0x67: {  	_ =	shalt  }
0x68: {  	_ =	shalt  }
0x69: {  	_ =	shalt  }
0x6a: {  	_ =	shalt  }
0x6b: {  	_ =	shalt  }
0x6c: {  	_ =	shalt  }
0x6d: {  	_ =	shalt  }
0x6e: {  	_ =	shalt  }
0x6f: {  	_ =	shalt  }
0x70: {  	_ =	shalt  }
0x71: {  	_ =	shalt  }
0x72: {  	_ =	shalt  }
0x73: {  	_ =	shalt  }
0x74: {  	_ =	shalt  }
0x75: {  	_ =	shalt  }
0x76: {  	_ =	shalt  }
0x77: {  	_ =	shalt  }
0x78: {  	_ =	shalt  }
0x79: {  	_ =	shalt  }
0x7a: {  	_ =	shalt  }
0x7b: {  	_ =	shalt  }
0x7c: {  	_ =	shalt  }
0x7d: {  	_ =	shalt  }
0x7e: {  	_ =	shalt  }
0x7f: {  	_ =	shalt  }
0x80: {  	_ =	shalt  }
0x81: {  	_ =	shalt  }
0x82: {  	_ =	shalt  }
0x83: {  	_ =	shalt  }
0x84: {  	_ =	shalt  }
0x85: {  	_ =	shalt  }
0x86: {  	_ =	shalt  }
0x87: {  	_ =	shalt  }
.Lfunc_end0:
.L_simem_size_0:
called_computation.2_lowered:
.L_overlay_start_0:
0x88: {  	s2 =	sld [smem:$0x3FD9]  }
0x89: {  	s3 =	sld [smem:$0x3FFE];
	_ =	sdelay $0x1  }
0x8a: {  	s1 =	srdreg.scid  }
0x8b: {  	s0 =	sand.u32 $0x1, s1  }
0x8c: {  	s17 =	sshll.u32 s0, $0xA;
	s2 =	sadd.s32 s3, s2  }
0x8d: {  	s2 =	sadd.s32 s2, s17  }
0x8e: {  	[smem:$0x3FBE] =	sst s2  }
0x8f: {  	_ = 	snop  }
0x90: {  	s2 =	sld [smem:$0x3FD0];
	(tm) =	ssettm $0x1  }
0x91: {  	s18 =	sld [smem:$0x3FFB];
	_ =	sdelay $0x3  }
0x92: {  	_ =	strace s18  }
0x93: {  	s3 =	sld [smem:$0x3FFC];
	_ =	sdelay $0x3  }
0x94: {  	_ =	strace s3  }
0x95: {  	s3 =	sld [smem:$0x3FFD];
	_ =	sdelay $0x3  }
0x96: {  	_ =	strace s3  }
0x97: {  	_ =	strace $0x8FFFFFFF  }
0x98: {  	s19 =	sld [smem:$0x3FDB];
	_ =	sdelay $0x1  }
0x99: {  	s4 =	simm.s32 $_scs_section_size  }
0x9a: {  	s5 =	simm.s32 $_size__tile_overlayer_lowered;
	s6 =	simm.s32 $_tile_overlayer_lowered  }
0x9b: {  	s22 =	simm.s32 $0x1BFF;
	s21 =	sshll.u32 s6, $0x1;
	s3 =	sadd.s32 s4, s19  }
0x9c: {  	s7 =	simm.s32 $0x0;
	s20 =	sshll.u32 s5, $0x1;
	s5 =	sadd.s32 s21, s3  }
0x9d: {  	[timem:s7], [sflag:s22] =	dma.local [hbm:s5], s20  }
0x9e: {  	_ =	swait.ge [sflag:s22], s20  }
0x9f: {  	s4 =	ssub.s32 $0x0, s20;
	[sflag:s22] =	ssyncset.done $0x0  }
0xa0: {  	[sflag:s22] =	ssyncadd.s32 s4;
	_ =	sdelay $0x1  }
0xa1: {  	s23 =	simm.s32 $0x1B8B  }
0xa2: {  	_ =	swait.ge [sflag:s23], $0x1  }
0xa3: {  	[sflag:s23] =	ssyncset.done $0x0  }
0xa4: {  	s25 =	simm.s32 $0x1B8E;
	s24 =	sld [smem:$0x3FFE];
	[sflag:s23] =	ssyncadd.s32 $0xFFFFFFFF  }
0xa5: {  	s26 =	simm.s32 $execute0_lowered;
	[smem:$0x3FD2] =	sst s25  }
0xa6: {  	s5 =	sshll.u32 s26, $0x1;
	_ =	strace $0x8000004C;
	[dreg:$0x1] =	wrdreg $0xFFFFFFFF  }
0xa7: {  	s28 =	simm.s32 $_size_execute0_lowered;
	s3 =	sadd.s32 s3, s5;
	[dreg:$0x0] =	wrdreg $0x0  }
0xa8: {  	s5 =	sshll.u32 s28, $0x1;
	[dreg:$0x2] =	wrdreg s3  }
0xa9: {  	[dreg:$0x3] =	wrdreg s5  }
0xaa: {  	[dreg:$0x4] =	wrdreg $0xC0  }
0xab: {  	_ =	task [dreg:s7], $0x5FFFF  }
0xac: {  	[dreg:$0x1] =	wrdreg $0xFFFFFFFF  }
0xad: {  	[dreg:$0x0] =	wrdreg $0x60  }
0xae: {  	[dreg:$0x2] =	wrdreg s2  }
0xaf: {  	[dreg:$0x3] =	wrdreg s24  }
0xb0: {  	[dreg:$0x4] =	wrdreg $0x41000  }
0xb1: {  	[dreg:$0x5] =	wrdreg $0x9  }
0xb2: {  	_ =	task.clear_ibuf [dreg:s7], $0x6FFFF;
	_ =	strace $0x9000004C  }
0xb3: {  	s29 =	simm.s32 $0x9;
	_ =	strace $0x8000004E  }
0xb4: {  	_ =	swait.ge [sflag:s29], $0x1  }
0xb5: {  	[sflag:s29] =	ssyncadd.s32 $0xFFFFFFFF  }
0xb6: {  	_ =	strace $0x9000004E  }
0xb7: {  	_ =	sfence  }
0xb8: {  	s30 =	sld [smem:$0x0];
	_ =	sdelay $0x2  }
0xb9: {  	s31 =	sshll.u32 s1, $0xD;
	s1 =	sshrl.u32 s1, $0x2  }
0xba: {  	s3 =	sand.u32 $0x4000, s31;
	s1 =	sadd.s32 s1, s30  }
0xbb: {  	s0 =	sor.u32 s3, s0;
	s1 =	sshll.u32 s1, $0x11  }
0xbc: {  	s0 =	sor.u32 s1, s0  }
0xbd: {  	s0 =	sadd.s32 $0x8F2B, s0  }
0xbe: {  	[sflag:s0] =	ssyncadd.remote.s32 $0x1  }
0xbf: {  	_ =	sfence.sel $0xFFFF  }
0xc0: {  	[dreg:$0x0] =	wrdreg $0xFFFFFFFF;
	(pc) =	sbr.abs _section_cstart, $3  }
0xc1: {  	[dreg:$0x1] =	wrdreg $0xFFFFFFFF  }
0xc2: {  	_ =	task.clear_ibuf [dreg:s7], $0x2FFFF;
	_ =	strace $0x9FFFFFFF  }
0xc3: {  	(tm) =	ssettm $0x7FFFFFFF  }
tec
execute0_lowered:
.L_overlay_start_1:
0x0: {  	(tag) =	ssettag $0x1  }
0x1: {  	s1 =	rddreg [dreg:$0x0]  }
0x2: {  	s5 =	rddreg [dreg:$0x1]  }
0x3: {  	s0 =	srdreg.scid;
	s3 =	rddreg [dreg:$0x2]  }
0x4: {  	s2 =	rddreg [dreg:$0x3];
	s6 =	sand.u32 $0x1, s0  }
0x5: {  	s0 =	stileid.u32;
	s7 =	smul.u32 $0x13C000, s6  }
0x6: {  	s4 =	simm.s32 $0x0;
	s15 =	simm.s32 $0x2;
	s8 =	smul.u32 $0x13C00, s0  }
0x7: {  	s16 =	simm.s32 $0x80;
	s17 =	simm.s32 $0x1;
	s9 =	smul.u32 $0x5000, s6  }
0x8: {  	s20 =	simm.s32 $0x0;
	[smem:$0x7FF] =	sst s4;
	s29 =	smul.u32 $0x4F000, s0  }
0x9: {  	_ =	strace $0x8000004D;
	s6 =	ssub.s32 $0x2, s6;
	s18 =	sshll.u32 s0, $0x6  }
0xa: {  	s12 =	smul.u32 $0x500, s0;
	s31 =	sshrl.u32 s6, $0x1;
	s18 =	sor.u32 $0x1C02, s18  }
0xb: {  	s7 =	sadd.s32 s8, s7;
	s10 =	sadd.s32 s9, s5;
	s30 =	sshrl.u32 s29, $0x2  }
0xc: {  	s13 =	ssub.s32 s6, s31;
	s7 =	sshrl.u32 s7, $0x3;
	s14 =	sadd.s32 s12, s10  }
0xd: {  	s11 =	sadd.s32 s7, s5;
	s5 =	sadd.s32 s30, s3;
	s12 =	sadd.s32 $0x2000, s14  }
0xe: {  	s6 =	sadd.s32 $0x4000, s5;
	s7 =	sadd.s32 $0x8000, s5;
	s8 =	sadd.s32 $0xC000, s5  }
0xf: {  	s9 =	sadd.s32 $0x10000, s5;
	s10 =	sadd.s32 $0x16000, s11;
	s11 =	smax.u32 s13, $0x1  }
0x10: {  	v0 =	vimm.f32 $0.0e+00;
	s13 =	sadd.s32 $0xC000, s14;
	s14 =	simm.s32 $0x100;
	s19 =	sshrl.u32 s5, $0x3  }
.LBB2_1:
0x11: {  	s21 =	simm.s32 $0x0;
	s22 =	simm.s32 $0x200  }
.LBB2_2:
0x12: {  	p0 =	sne.s32 s22, $0xFE00;
	[tilespmem:s21+$0x170] =	vst v0  }
0x13: {  	[tilespmem:s21+$0x100] =	vst v0  }
0x14: {  	[tilespmem:s21+$0x110] =	vst v0  }
.Ltmp0:
0x15: {  	[tilespmem:s21+$0x120] =	vst v0;
	(pc) =	sbr.rel @p0 .LBB2_2-.Ltmp0, $4  }
0x16: {  	[tilespmem:s21+$0x130] =	vst v0  }
0x17: {  	[tilespmem:s21+$0x140] =	vst v0  }
0x18: {  	[tilespmem:s21+$0x150] =	vst v0  }
0x19: {  	[tilespmem:s21+$0x160] =	vst v0;
	s21 =	sshra.s32 s22, $0x2;
	s22 =	sadd.s32 $0x200, s22  }
0x1a: {  	[tilespmem:s21+$0x170] =	vst v0  }
0x1b: {  	[tilespmem:s21+$0x100] =	vst v0  }
0x1c: {  	[tilespmem:s21+$0x110] =	vst v0  }
0x1d: {  	[tilespmem:s21+$0x120] =	vst v0  }
0x1e: {  	[tilespmem:s21+$0x130] =	vst v0  }
0x1f: {  	[tilespmem:s21+$0x140] =	vst v0  }
0x20: {  	[tilespmem:s21+$0x150] =	vst v0  }
0x21: {  	[tilespmem:s21+$0x160] =	vst v0  }
0x22: {  	[spmem:s5] =	stream.linear.scatter [tilespmem:s14], [sflag:$0x2], $0x4000, $0x38;
	[tilespmem:$0x17D00] =	vst v63  }
0x23: {  	_ =	swait.ge [sflag:s15], $0x4000  }
0x24: {  	[sflag:s15] =	ssyncset.done $0x0  }
0x25: {  	[sflag:s15] =	ssyncadd.s32 $0xFFFFC000  }
0x26: {  	[spmem:s6] =	stream.linear.scatter [tilespmem:s14], [sflag:$0x2], $0x4000, $0x38;
	[tilespmem:$0x17D00] =	vst v63  }
0x27: {  	_ =	swait.ge [sflag:s15], $0x4000  }
0x28: {  	[sflag:s15] =	ssyncset.done $0x0  }
0x29: {  	[sflag:s15] =	ssyncadd.s32 $0xFFFFC000  }
0x2a: {  	[spmem:s7] =	stream.linear.scatter [tilespmem:s14], [sflag:$0x2], $0x4000, $0x38;
	[tilespmem:$0x17D00] =	vst v63  }
0x2b: {  	_ =	swait.ge [sflag:s15], $0x4000  }
0x2c: {  	[sflag:s15] =	ssyncset.done $0x0  }
0x2d: {  	[sflag:s15] =	ssyncadd.s32 $0xFFFFC000  }
0x2e: {  	[spmem:s8] =	stream.linear.scatter [tilespmem:s14], [sflag:$0x2], $0x4000, $0x38;
	[tilespmem:$0x17D00] =	vst v63  }
0x2f: {  	_ =	swait.ge [sflag:s15], $0x4000  }
0x30: {  	[sflag:s15] =	ssyncset.done $0x0  }
0x31: {  	[sflag:s15] =	ssyncadd.s32 $0xFFFFC000  }
0x32: {  	[spmem:s9] =	stream.linear.scatter [tilespmem:s14], [sflag:$0x2], $0x3C00, $0x38;
	[tilespmem:$0x17D00] =	vst v63  }
0x33: {  	_ =	swait.ge [sflag:s15], $0x3C00  }
0x34: {  	[sflag:s15] =	ssyncset.done $0x0  }
0x35: {  	[sflag:s15] =	ssyncadd.s32 $0xFFFFC400  }
0x36: {  	s30 =	sadd.s32 $0x0, s13;
	[bflag:$0x0] =	sbarrier.arrive $0xFFFF  }
0x37: {  	[tilespmem:s4], [sflag:$0x2] =	stream.linear.gather [hbm4b:s30+s4], $0x80, $0x38;
	[tilespmem:$0x17D00] =	vst v63  }
0x38: {  	_ =	swait.ge [sflag:s15], $0x80  }
0x39: {  	[sflag:s15] =	ssyncset.done $0x0  }
0x3a: {  	s31 =	sadd.s32 $0x0, s12;
	[sflag:s15] =	ssyncadd.s32 $0xFFFFFF80  }
0x3b: {  	[tilespmem:s16], [sflag:$0x2] =	stream.linear.gather [hbm4b:s31+s4], $0x80, $0x38;
	[tilespmem:$0x17D00] =	vst v63  }
0x3c: {  	_ =	swait.ge [sflag:s15], $0x80  }
0x3d: {  	[sflag:s15] =	ssyncset.done $0x0  }
0x3e: {  	[sflag:s15] =	ssyncadd.s32 $0xFFFFFF80  }
0x3f: {  	[tilespmem:s14], [sflag:$0x1] =	stream.indirect.gather [hbm4b:s1+s16], $0x80, s4, s16, $0xb8;
	[tilespmem:$0x17D00] =	vst v63  }
0x40: {  	_ =	swait.ge [sflag:s17], $0x4000  }
0x41: {  	[sflag:s17] =	ssyncset.done $0x0  }
0x42: {  	[sflag:s17] =	ssyncadd.s32 $0xFFFFC000  }
0x43: {  	[spmem:s3] =	stream.indirect.scatter.add.f32 [tilespmem:s14], [sflag:$0x2], $0x80, s16, s16, $0xb8;
	[tilespmem:$0x17D00] =	vst v63  }
0x44: {  	_ =	swait.ge [sflag:s15], $0x4000  }
0x45: {  	s21 =	simm.s32 $0x10;
	s22 =	simm.s32 $0x20;
	[sflag:s15] =	ssyncset.done $0x0  }
.LBB2_4:
0x46: {  	s23 =	sadd.s32 s21, s13  }
0x47: {  	[sflag:s15] =	ssyncadd.s32 $0xFFFFC000;
	s24 =	smov.u32 s22;
	s25 =	sadd.s32 $0x10, s22  }
0x48: {  	[tilespmem:s4], [sflag:$0x2] =	stream.linear.gather [hbm4b:s23+s4], $0x80, $0x38;
	[tilespmem:$0x17D00] =	vst v63  }
0x49: {  	p0 =	sne.s32 s22, $0x4F0;
	_ =	swait.ge [sflag:s15], $0x80  }
0x4a: {  	[sflag:s15] =	ssyncset.done $0x0  }
0x4b: {  	s22 =	sadd.s32 s21, s12;
	s21 =	smov.u32 s24;
	[sflag:s15] =	ssyncadd.s32 $0xFFFFFF80  }
0x4c: {  	[tilespmem:s16], [sflag:$0x2] =	stream.linear.gather [hbm4b:s22+s4], $0x80, $0x38;
	[tilespmem:$0x17D00] =	vst v63  }
0x4d: {  	_ =	swait.ge [sflag:s15], $0x80  }
0x4e: {  	[sflag:s15] =	ssyncset.done $0x0  }
0x4f: {  	[sflag:s15] =	ssyncadd.s32 $0xFFFFFF80  }
0x50: {  	[tilespmem:s14], [sflag:$0x1] =	stream.indirect.gather [hbm4b:s1+s16], $0x80, s4, s16, $0xb8;
	[tilespmem:$0x17D00] =	vst v63  }
0x51: {  	_ =	swait.ge [sflag:s17], $0x4000  }
.Ltmp1:
0x52: {  	[sflag:s17] =	ssyncset.done $0x0;
	(pc) =	sbr.rel @p0 .LBB2_4-.Ltmp1, $4  }
0x53: {  	[sflag:s17] =	ssyncadd.s32 $0xFFFFC000  }
0x54: {  	[spmem:s3] =	stream.indirect.scatter.add.f32 [tilespmem:s14], [sflag:$0x2], $0x80, s16, s16, $0xb8;
	[tilespmem:$0x17D00] =	vst v63  }
0x55: {  	_ =	swait.ge [sflag:s15], $0x4000  }
0x56: {  	s22 =	smov.u32 s25;
	[sflag:s15] =	ssyncset.done $0x0  }
0x57: {  	s22 =	sadd.s32 s21, s13;
	[sflag:s15] =	ssyncadd.s32 $0xFFFFC000  }
0x58: {  	[tilespmem:s4], [sflag:$0x2] =	stream.linear.gather [hbm4b:s22+s4], $0x80, $0x38;
	[tilespmem:$0x17D00] =	vst v63  }
0x59: {  	_ =	swait.ge [sflag:s15], $0x80  }
0x5a: {  	[sflag:s15] =	ssyncset.done $0x0  }
0x5b: {  	s31 =	sadd.s32 s21, s12;
	[sflag:s15] =	ssyncadd.s32 $0xFFFFFF80  }
0x5c: {  	[tilespmem:s16], [sflag:$0x2] =	stream.linear.gather [hbm4b:s31+s4], $0x80, $0x38;
	[tilespmem:$0x17D00] =	vst v63  }
0x5d: {  	_ =	swait.ge [sflag:s15], $0x80  }
0x5e: {  	[sflag:s15] =	ssyncset.done $0x0  }
0x5f: {  	[sflag:s15] =	ssyncadd.s32 $0xFFFFFF80  }
0x60: {  	[tilespmem:s14], [sflag:$0x1] =	stream.indirect.gather [hbm4b:s1+s16], $0x80, s4, s16, $0xb8;
	[tilespmem:$0x17D00] =	vst v63  }
0x61: {  	_ =	swait.ge [sflag:s17], $0x4000  }
0x62: {  	[sflag:s17] =	ssyncset.done $0x0  }
0x63: {  	[sflag:s17] =	ssyncadd.s32 $0xFFFFC000  }
0x64: {  	[spmem:s3] =	stream.indirect.scatter.add.f32 [tilespmem:s14], [sflag:$0x2], $0x80, s16, s16, $0xb8;
	[tilespmem:$0x17D00] =	vst v63  }
0x65: {  	_ =	swait.ge [sflag:s15], $0x4000  }
0x66: {  	s20 =	sadd.s32 $0x1, s20;
	[sflag:s15] =	ssyncset.done $0x0  }
0x67: {  	p0 =	sne.s32 s20, s11;
	[sflag:s15] =	ssyncadd.s32 $0xFFFFC000  }
.Ltmp2:
0x68: {  	[bflag:$0x0] =	sbarrier.arrive $0xFFFF;
	(pc) =	sbr.rel @p0 .LBB2_1-.Ltmp2, $4  }
0x69: {  	[hbm:s10], [sflag:s18] =	dma.local [spmem:s19], $0x2780  }
0x6a: {  	_ =	swait.ge [sflag:s15], $0x2780  }
0x6b: {  	[sflag:s15] =	ssyncset.done $0x0  }
0x6c: {  	[sflag:s15] =	ssyncadd.s32 $0xFFFFD880  }
0x6d: {  	_ =	sfence.sel $0x180000  }
0x6e: {  	[bflag:$0x0] =	sbarrier.arrive $0xFFFF  }
0x6f: {  	p0 =	sne.s32 s0, $0x0;
	_ =	strace $0x9000004D  }
0x70: {  	s0 =	sadd.s32 @!p0 $0x100000, s2;
	[bflag:$0x2] =	sbarrier.arrive $0xFFFF  }
0x71: {  	[sflag:s0] =	ssyncadd.tile.s32 @!p0 $0x1;
	_ =	shalt  }
.Lfunc_end2:
_tile_overlayer_lowered:
.L_overlay_start_2:
0x72: {  	(tag) =	ssettag $0x2  }
0x73: {  	s0 =	rddreg [dreg:$0x0];
	s2 =	stileid.u32  }
0x74: {  	s1 =	rddreg [dreg:$0x1];
	p0 =	sne.s32 s2, $0x0  }
0x75: {  	s3 =	rddreg [dreg:$0x2];
	[bflag:$0x3] =	sbarrier.arrive $0xFFFF;
	s2 =	simm.s32 @!p0 $0x1C02  }
0x76: {  	[timem:s3], [sflag:s2] =	dma.local @!p0 [hbm:s0], s1  }
0x77: {  	s0 =	simm.s32 @!p0 $0x2  }
0x78: {  	_ =	swait.ge @!p0 [sflag:s0], s1  }
0x79: {  	s1 =	ssub.s32 @!p0 $0x0, s1;
	[sflag:s0] =	ssyncset.done @!p0 $0x0  }
0x7a: {  	[sflag:s0] =	ssyncadd.s32 @!p0 s1  }
0x7b: {  	[bflag:$0x3] =	sbarrier.arrive $0xFFFF  }
0x7c: {  	_ =	shalt  }

// kernel: kernel.8.cloned.1.call-start
scs
__scs_entry_jumppad:
0x0: {  	(pc) =	sbr.rel $0x88, $3  }
0x1: {  	(tag) =	ssettag $0x0;
	lr =	simm.s32 $0x1  }
0x2: {  	[smem:$0x3F97] =	sst lr;
	_ =	strace $0xD0000000  }
0x3: {  	_ = 	snop  }
0x4: {  	_ = 	snop  }
0x5: {  	_ = 	snop  }
0x6: {  	_ = 	snop  }
0x7: {  	_ = 	snop  }
__scs_overlays_trampoline_lowered:
0x8: {  	[smem:$0x3FA6] =	sst s0  }
0x9: {  	[smem:$0x3FA7] =	sst s1  }
0xa: {  	[smem:$0x3FA8] =	sst s2  }
0xb: {  	[smem:$0x3FA9] =	sst s3  }
0xc: {  	[smem:$0x3FAA] =	sst s4  }
0xd: {  	[smem:$0x3FAB] =	sst s5  }
0xe: {  	[smem:$0x3FAC] =	sst s6  }
0xf: {  	[smem:$0x3FAD] =	sst s7  }
0x10: {  	[smem:$0x3FAE] =	sst s8  }
0x11: {  	[smem:$0x3FAF] =	sst s9;
	s0 =	simm.s32 @!p0 $0x0  }
0x12: {  	s1 =	sld [smem:$0x3F95];
	s0 =	simm.s32 @p0 $0x1  }
0x13: {  	[smem:$0x3FB0] =	sst s0;
	s0 =	simm.s32 @!p1 $0x0  }
0x14: {  	s2 =	sld [smem:$0x3F94];
	s0 =	simm.s32 @p1 $0x1  }
0x15: {  	[smem:$0x3FB1] =	sst s0;
	s0 =	simm.s32 @!p2 $0x0  }
0x16: {  	s3 =	sld [smem:$0x3FDB];
	s0 =	simm.s32 @p2 $0x1  }
0x17: {  	s4 =	simm.s32 $0x1BF5;
	[smem:$0x3FB3] =	sst s0  }
0x18: {  	s0 =	sld [smem:$0x3F96];
	_ =	swait.ge [sflag:s4], $0x0  }
0x19: {  	s7 =	sld [smem:$0x3F97]  }
0x1a: {  	s8 =	sadd.s32 $0xFFFFE003, lr  }
0x1b: {  	s9 =	sadd.s32 $0xFFFFFEF7, lr;
	s5 =	simm.s32 $0xFFFFFFFF;
	p2 =	slt.u32 s8, $0xFFFFF086  }
0x1c: {  	p1 =	slt.u32 s9, $0xF7A;
	s5 =	simm.s32 @!p2 $0x0  }
0x1d: {  	s5 =	simm.s32 @p1 $0x1;
	p0 =	seq.s32 s7, s2  }
0x1e: {  	s7 =	smul.u32 @!p0 $0xF7A, s2;
	p2 =	seq.s32 @!p0 s5, $0x0  }
0x1f: {  	s9 =	smul.u32 $0xF7A, s1;
	s8 =	simm.s32 @!p0 $0x1BF5;
	p2 =	por !p2, p0  }
0x20: {  	[sflag:s8] =	ssyncset.s32 @!p0 $0xFFFFF086;
	s6 =	sadd.s32 @!p0 s3, s7;
	s7 =	simm.s32 @!p0 $0x108  }
0x21: {  	s3 =	sadd.s32 s3, s9;
	s6 =	sadd.s32 @!p0 $0x88, s6;
	s7 =	simm.s32 @p2 $0x1082  }
0x22: {  	[simem:s7], [sflag:s8] =	dma.local @!p0 [hbm:s6], $0xF7A  }
0x23: {  	s9 =	sor.u32 $0xD0000000, s2;
	s6 =	simm.s32 $0x108;
	_ =	swait.ge @!p0 [sflag:s8], $0x0  }
0x24: {  	s3 =	sadd.s32 $0x88, s3;
	s6 =	simm.s32 @!p1 $0x1082;
	[sflag:s4] =	ssyncset.s32 $0xFFFFF086  }
0x25: {  	[simem:s6], [sflag:s4] =	dma.local [hbm:s3], $0xF7A  }
0x26: {  	[smem:$0x3F97] =	sst s1;
	(tag) =	ssettag s2;
	_ =	strace s9  }
0x27: {  	s1 =	sld [smem:$0x3FA7]  }
0x28: {  	s2 =	sld [smem:$0x3FA8]  }
0x29: {  	s4 =	sld [smem:$0x3FAA]  }
0x2a: {  	p0 =	seq.s32 s5, $0x0;
	s5 =	sld [smem:$0x3FAB]  }
0x2b: {  	s6 =	sld [smem:$0x3FAC]  }
0x2c: {  	s7 =	sld [smem:$0x3FAD]  }
0x2d: {  	s3 =	simm.s32 $0x108;
	s8 =	sld [smem:$0x3FAE]  }
0x2e: {  	s3 =	simm.s32 @!p0 $0x1082;
	s9 =	sld [smem:$0x3FAF]  }
0x2f: {  	lr =	sadd.s32 s0, s3;
	s0 =	sld [smem:$0x3FA6]  }
0x30: {  	s3 =	sld [smem:$0x3FA9]  }
0x31: {  	[smem:$0x3FB2] =	sst s10  }
0x32: {  	s10 =	sld [smem:$0x3FB0];
	_ =	sdelay $0x3  }
0x33: {  	p0 =	seq.s32 s10, $0x1;
	s10 =	sld [smem:$0x3FB2];
	_ =	sdelay $0x3  }
0x34: {  	[smem:$0x3FB2] =	sst s10  }
0x35: {  	s10 =	sld [smem:$0x3FB1];
	_ =	sdelay $0x3  }
0x36: {  	p1 =	seq.s32 s10, $0x1;
	s10 =	sld [smem:$0x3FB2];
	_ =	sdelay $0x3  }
0x37: {  	[smem:$0x3FB2] =	sst s10  }
0x38: {  	s10 =	sld [smem:$0x3FB3]  }
0x39: {  	_ = 	snop;
	(pc) =	sbr.ind lr, $3  }
0x3a: {  	_ = 	snop  }
0x3b: {  	_ = 	snop  }
0x3c: {  	p2 =	seq.s32 s10, $0x1;
	s10 =	sld [smem:$0x3FB2]  }
0x3d: {  	_ =	shalt  }
0x3e: {  	_ =	shalt  }
0x3f: {  	_ =	shalt  }
0x40: {  	_ =	shalt  }
0x41: {  	_ =	shalt  }
0x42: {  	_ =	shalt  }
0x43: {  	_ =	shalt  }
0x44: {  	_ =	shalt  }
0x45: {  	_ =	shalt  }
0x46: {  	_ =	shalt  }
0x47: {  	_ =	shalt  }
0x48: {  	_ =	shalt  }
0x49: {  	_ =	shalt  }
0x4a: {  	_ =	shalt  }
0x4b: {  	_ =	shalt  }
0x4c: {  	_ =	shalt  }
0x4d: {  	_ =	shalt  }
0x4e: {  	_ =	shalt  }
0x4f: {  	_ =	shalt  }
0x50: {  	_ =	shalt  }
0x51: {  	_ =	shalt  }
0x52: {  	_ =	shalt  }
0x53: {  	_ =	shalt  }
0x54: {  	_ =	shalt  }
0x55: {  	_ =	shalt  }
0x56: {  	_ =	shalt  }
0x57: {  	_ =	shalt  }
0x58: {  	_ =	shalt  }
0x59: {  	_ =	shalt  }
0x5a: {  	_ =	shalt  }
0x5b: {  	_ =	shalt  }
0x5c: {  	_ =	shalt  }
0x5d: {  	_ =	shalt  }
0x5e: {  	_ =	shalt  }
0x5f: {  	_ =	shalt  }
0x60: {  	_ =	shalt  }
0x61: {  	_ =	shalt  }
0x62: {  	_ =	shalt  }
0x63: {  	_ =	shalt  }
0x64: {  	_ =	shalt  }
0x65: {  	_ =	shalt  }
0x66: {  	_ =	shalt  }
0x67: {  	_ =	shalt  }
0x68: {  	_ =	shalt  }
0x69: {  	_ =	shalt  }
0x6a: {  	_ =	shalt  }
0x6b: {  	_ =	shalt  }
0x6c: {  	_ =	shalt  }
0x6d: {  	_ =	shalt  }
0x6e: {  	_ =	shalt  }
0x6f: {  	_ =	shalt  }
0x70: {  	_ =	shalt  }
0x71: {  	_ =	shalt  }
0x72: {  	_ =	shalt  }
0x73: {  	_ =	shalt  }
0x74: {  	_ =	shalt  }
0x75: {  	_ =	shalt  }
0x76: {  	_ =	shalt  }
0x77: {  	_ =	shalt  }
0x78: {  	_ =	shalt  }
0x79: {  	_ =	shalt  }
0x7a: {  	_ =	shalt  }
0x7b: {  	_ =	shalt  }
0x7c: {  	_ =	shalt  }
0x7d: {  	_ =	shalt  }
0x7e: {  	_ =	shalt  }
0x7f: {  	_ =	shalt  }
0x80: {  	_ =	shalt  }
0x81: {  	_ =	shalt  }
0x82: {  	_ =	shalt  }
0x83: {  	_ =	shalt  }
0x84: {  	_ =	shalt  }
0x85: {  	_ =	shalt  }
0x86: {  	_ =	shalt  }
0x87: {  	_ =	shalt  }
.Lfunc_end0:
.L_simem_size_0:
called_computation_lowered:
.L_overlay_start_0:
0x88: {  	s2 =	sld [smem:$0x3FD9]  }
0x89: {  	s3 =	sld [smem:$0x3FFE];
	_ =	sdelay $0x1  }
0x8a: {  	s1 =	srdreg.scid  }
0x8b: {  	s0 =	sand.u32 $0x1, s1  }
0x8c: {  	s17 =	sshll.u32 s0, $0xA;
	s2 =	sadd.s32 s3, s2  }
0x8d: {  	s2 =	sadd.s32 s2, s17  }
0x8e: {  	[smem:$0x3FBE] =	sst s2  }
0x8f: {  	_ = 	snop  }
0x90: {  	(tm) =	ssettm $0x1  }
0x91: {  	s18 =	sld [smem:$0x3FFB];
	_ =	sdelay $0x3  }
0x92: {  	_ =	strace s18  }
0x93: {  	s2 =	sld [smem:$0x3FFC];
	_ =	sdelay $0x3  }
0x94: {  	_ =	strace s2  }
0x95: {  	s2 =	sld [smem:$0x3FFD];
	_ =	sdelay $0x3  }
0x96: {  	_ =	strace s2  }
0x97: {  	_ =	strace $0x8FFFFFFF  }
0x98: {  	s19 =	sld [smem:$0x3FDB];
	_ =	sdelay $0x1  }
0x99: {  	s20 =	simm.s32 $_scs_section_size  }
0x9a: {  	s4 =	simm.s32 $_size__tile_overlayer_lowered;
	s5 =	simm.s32 $_tile_overlayer_lowered  }
0x9b: {  	s6 =	simm.s32 $0x1BFF;
	s21 =	sshll.u32 s5, $0x1;
	s3 =	sadd.s32 s20, s19  }
0x9c: {  	s22 =	simm.s32 $0x0;
	s4 =	sshll.u32 s4, $0x1;
	s5 =	sadd.s32 s21, s3  }
0x9d: {  	[timem:s22], [sflag:s6] =	dma.local [hbm:s5], s4  }
0x9e: {  	_ =	swait.ge [sflag:s6], s4  }
0x9f: {  	s4 =	ssub.s32 $0x0, s4;
	[sflag:s6] =	ssyncset.done $0x0  }
0xa0: {  	[sflag:s6] =	ssyncadd.s32 s4;
	_ =	sdelay $0x1  }
0xa1: {  	s23 =	simm.s32 $0x1B8B  }
0xa2: {  	_ =	swait.ge [sflag:s23], $0x1  }
0xa3: {  	[sflag:s23] =	ssyncset.done $0x0  }
0xa4: {  	[sflag:s23] =	ssyncadd.s32 $0xFFFFFFFF  }
0xa5: {  	s4 =	sld [smem:$0x0]  }
0xa6: {  	s5 =	sand.u32 $0xFFFFFFFE, s1  }
0xa7: {  	p0 =	sne.s32 s1, s5  }
0xa8: {  	s5 =	sshll.u32 @p0 s5, $0xE  }
0xa9: {  	s5 =	sadd.s32 @p0 $0x11B8D, s5;
	s6 =	sshll.u32 @p0 s4, $0x11  }
0xaa: {  	s5 =	sor.u32 @p0 s6, s5  }
0xab: {  	[sflag:s5] =	ssyncadd.remote.s32 @p0 $0x1;
	_ =	sdelay $0x1  }
0xac: {  	s5 =	simm.s32 @p0 $0x1B8D  }
0xad: {  	_ =	swait.eq @p0 [sflag:s5], $0x1  }
0xae: {  	[sflag:s5] =	ssyncadd.s32 @p0 $0xFFFFFFFF  }
0xaf: {  	s6 =	sshll.u32 @!p0 s1, $0xE  }
0xb0: {  	s6 =	sor.u32 @!p0 $0x4000, s6;
	s5 =	simm.s32 @!p0 $0x1B8D  }
0xb1: {  	s4 =	sshll.u32 @!p0 s4, $0x11;
	s6 =	sadd.s32 @!p0 $0x11B8D, s6;
	_ =	swait.eq @!p0 [sflag:s5], $0x1  }
0xb2: {  	s4 =	sor.u32 @!p0 s4, s6;
	[sflag:s5] =	ssyncadd.s32 @!p0 $0xFFFFFFFF  }
0xb3: {  	s25 =	simm.s32 $0x1B8E;
	s24 =	sld [smem:$0x3FFE];
	[sflag:s4] =	ssyncadd.remote.s32 @!p0 $0x1  }
0xb4: {  	s26 =	simm.s32 $execute0_lowered;
	[smem:$0x3FD2] =	sst s25  }
0xb5: {  	s5 =	sshll.u32 s26, $0x1;
	_ =	strace $0x80000049;
	[dreg:$0x1] =	wrdreg $0xFFFFFFFF  }
0xb6: {  	s28 =	simm.s32 $_size_execute0_lowered;
	s3 =	sadd.s32 s3, s5;
	[dreg:$0x0] =	wrdreg $0x0  }
0xb7: {  	s5 =	sshll.u32 s28, $0x1;
	[dreg:$0x2] =	wrdreg s3  }
0xb8: {  	[dreg:$0x3] =	wrdreg s5  }
0xb9: {  	[dreg:$0x4] =	wrdreg $0xC0  }
0xba: {  	_ =	task [dreg:s22], $0x5FFFF  }
0xbb: {  	[dreg:$0x1] =	wrdreg $0xFFFFFFFF  }
0xbc: {  	[dreg:$0x0] =	wrdreg $0x60  }
0xbd: {  	[dreg:$0x2] =	wrdreg s24  }
0xbe: {  	[dreg:$0x3] =	wrdreg $0x40800  }
0xbf: {  	[dreg:$0x4] =	wrdreg $0x9  }
0xc0: {  	_ =	task.clear_ibuf [dreg:s22], $0x5FFFF;
	_ =	strace $0x90000049  }
0xc1: {  	s29 =	simm.s32 $0x9;
	_ =	strace $0x8000004B  }
0xc2: {  	_ =	swait.ge [sflag:s29], $0x1  }
0xc3: {  	[sflag:s29] =	ssyncadd.s32 $0xFFFFFFFF  }
0xc4: {  	_ =	strace $0x9000004B  }
0xc5: {  	_ =	sfence  }
0xc6: {  	s30 =	sld [smem:$0x0];
	_ =	sdelay $0x2  }
0xc7: {  	s31 =	sshll.u32 s1, $0xD;
	s1 =	sshrl.u32 s1, $0x2  }
0xc8: {  	s4 =	sand.u32 $0x4000, s31;
	s1 =	sadd.s32 s1, s30  }
0xc9: {  	s0 =	sor.u32 s4, s0;
	s1 =	sshll.u32 s1, $0x11  }
0xca: {  	s0 =	sor.u32 s1, s0  }
0xcb: {  	s0 =	sadd.s32 $0x8F2B, s0  }
0xcc: {  	[sflag:s0] =	ssyncadd.remote.s32 $0x1  }
0xcd: {  	_ =	sfence.sel $0xFFFF  }
0xce: {  	[dreg:$0x0] =	wrdreg $0xFFFFFFFF;
	(pc) =	sbr.abs _section_cstart, $3  }
0xcf: {  	[dreg:$0x1] =	wrdreg $0xFFFFFFFF  }
0xd0: {  	_ =	task.clear_ibuf [dreg:s22], $0x2FFFF;
	_ =	strace $0x9FFFFFFF  }
0xd1: {  	(tm) =	ssettm $0x7FFFFFFF  }
tec
execute0_lowered:
.L_overlay_start_1:
0x0: {  	(tag) =	ssettag $0x1  }
0x1: {  	s4 =	rddreg [dreg:$0x0]  }
0x2: {  	s0 =	srdreg.scid;
	s2 =	rddreg [dreg:$0x1]  }
0x3: {  	s1 =	rddreg [dreg:$0x2];
	s5 =	sand.u32 $0x1, s0  }
0x4: {  	s0 =	stileid.u32;
	s6 =	smul.u32 $0x13C000, s5  }
0x5: {  	s3 =	simm.s32 $0x0;
	s13 =	simm.s32 $0x1;
	s7 =	smul.u32 $0x13C00, s0  }
0x6: {  	s16 =	simm.s32 $0x0;
	[smem:$0x7FF] =	sst s3;
	s8 =	smul.u32 $0x5000, s5  }
0x7: {  	s29 =	smul.u32 $0x4F000, s0;
	_ =	strace $0x8000004A;
	s5 =	ssub.s32 $0x2, s5  }
0x8: {  	s11 =	smul.u32 $0x500, s0;
	s14 =	sshll.u32 s0, $0x6;
	s31 =	sshrl.u32 s5, $0x1  }
0x9: {  	s14 =	sor.u32 $0x1C01, s14;
	s6 =	sadd.s32 s7, s6;
	s9 =	sadd.s32 s8, s4  }
0xa: {  	s30 =	sshrl.u32 s29, $0x2;
	s12 =	ssub.s32 s5, s31;
	s6 =	sshrl.u32 s6, $0x3  }
0xb: {  	s11 =	sadd.s32 s11, s9;
	s10 =	sadd.s32 s6, s4;
	s4 =	sadd.s32 s30, s2  }
0xc: {  	s11 =	sadd.s32 $0x2000, s11;
	s5 =	sadd.s32 $0x4000, s4;
	s6 =	sadd.s32 $0x8000, s4  }
0xd: {  	s7 =	sadd.s32 $0xC000, s4;
	s8 =	sadd.s32 $0x10000, s4;
	s9 =	sadd.s32 $0x65000, s10  }
0xe: {  	v0 =	vimm.f32 $0.0e+00;
	v1 =	vimm.f32 $1.000000000e+00;
	s10 =	smax.u32 s12, $0x1;
	s12 =	simm.s32 $0x80;
	s15 =	sshrl.u32 s4, $0x3  }
.LBB2_1:
0xf: {  	s17 =	simm.s32 $0x0;
	s18 =	simm.s32 $0x200  }
.LBB2_2:
0x10: {  	p0 =	sne.s32 s18, $0xFE00;
	[tilespmem:s17+$0xF0] =	vst v0  }
0x11: {  	[tilespmem:s17+$0x80] =	vst v0  }
0x12: {  	[tilespmem:s17+$0x90] =	vst v0  }
.Ltmp0:
0x13: {  	[tilespmem:s17+$0xA0] =	vst v0;
	(pc) =	sbr.rel @p0 .LBB2_2-.Ltmp0, $4  }
0x14: {  	[tilespmem:s17+$0xB0] =	vst v0  }
0x15: {  	[tilespmem:s17+$0xC0] =	vst v0  }
0x16: {  	[tilespmem:s17+$0xD0] =	vst v0  }
0x17: {  	[tilespmem:s17+$0xE0] =	vst v0;
	s17 =	sshra.s32 s18, $0x2;
	s18 =	sadd.s32 $0x200, s18  }
0x18: {  	[tilespmem:s17+$0xF0] =	vst v0  }
0x19: {  	[tilespmem:s17+$0x80] =	vst v0  }
0x1a: {  	[tilespmem:s17+$0x90] =	vst v0  }
0x1b: {  	[tilespmem:s17+$0xA0] =	vst v0  }
0x1c: {  	[tilespmem:s17+$0xB0] =	vst v0  }
0x1d: {  	[tilespmem:s17+$0xC0] =	vst v0  }
0x1e: {  	[tilespmem:s17+$0xD0] =	vst v0  }
0x1f: {  	[tilespmem:s17+$0xE0] =	vst v0  }
0x20: {  	[spmem:s4] =	stream.linear.scatter [tilespmem:s12], [sflag:$0x1], $0x4000, $0x38;
	[tilespmem:$0x17C80] =	vst v63  }
0x21: {  	_ =	swait.ge [sflag:s13], $0x4000  }
0x22: {  	[sflag:s13] =	ssyncset.done $0x0  }
0x23: {  	[sflag:s13] =	ssyncadd.s32 $0xFFFFC000  }
0x24: {  	[spmem:s5] =	stream.linear.scatter [tilespmem:s12], [sflag:$0x1], $0x4000, $0x38;
	[tilespmem:$0x17C80] =	vst v63  }
0x25: {  	_ =	swait.ge [sflag:s13], $0x4000  }
0x26: {  	[sflag:s13] =	ssyncset.done $0x0  }
0x27: {  	[sflag:s13] =	ssyncadd.s32 $0xFFFFC000  }
0x28: {  	[spmem:s6] =	stream.linear.scatter [tilespmem:s12], [sflag:$0x1], $0x4000, $0x38;
	[tilespmem:$0x17C80] =	vst v63  }
0x29: {  	_ =	swait.ge [sflag:s13], $0x4000  }
0x2a: {  	[sflag:s13] =	ssyncset.done $0x0  }
0x2b: {  	[sflag:s13] =	ssyncadd.s32 $0xFFFFC000  }
0x2c: {  	[spmem:s7] =	stream.linear.scatter [tilespmem:s12], [sflag:$0x1], $0x4000, $0x38;
	[tilespmem:$0x17C80] =	vst v63  }
0x2d: {  	_ =	swait.ge [sflag:s13], $0x4000  }
0x2e: {  	[sflag:s13] =	ssyncset.done $0x0  }
0x2f: {  	[sflag:s13] =	ssyncadd.s32 $0xFFFFC000  }
0x30: {  	[spmem:s8] =	stream.linear.scatter [tilespmem:s12], [sflag:$0x1], $0x3C00, $0x38;
	[tilespmem:$0x17C80] =	vst v63  }
0x31: {  	_ =	swait.ge [sflag:s13], $0x3C00  }
0x32: {  	[sflag:s13] =	ssyncset.done $0x0  }
0x33: {  	[sflag:s13] =	ssyncadd.s32 $0xFFFFC400  }
0x34: {  	s17 =	simm.s32 $0x0;
	s18 =	simm.s32 $0x200;
	[bflag:$0x0] =	sbarrier.arrive $0xFFFF  }
.LBB2_4:
0x35: {  	p0 =	sne.s32 s18, $0xFE00;
	[tilespmem:s17+$0xF0] =	vst v1  }
0x36: {  	[tilespmem:s17+$0x80] =	vst v1  }
0x37: {  	[tilespmem:s17+$0x90] =	vst v1  }
.Ltmp1:
0x38: {  	[tilespmem:s17+$0xA0] =	vst v1;
	(pc) =	sbr.rel @p0 .LBB2_4-.Ltmp1, $4  }
0x39: {  	[tilespmem:s17+$0xB0] =	vst v1  }
0x3a: {  	[tilespmem:s17+$0xC0] =	vst v1  }
0x3b: {  	[tilespmem:s17+$0xD0] =	vst v1  }
0x3c: {  	[tilespmem:s17+$0xE0] =	vst v1;
	s17 =	sshra.s32 s18, $0x2;
	s18 =	sadd.s32 $0x200, s18  }
0x3d: {  	[tilespmem:s17+$0xF0] =	vst v1  }
0x3e: {  	[tilespmem:s17+$0x80] =	vst v1  }
0x3f: {  	[tilespmem:s17+$0x90] =	vst v1  }
0x40: {  	[tilespmem:s17+$0xA0] =	vst v1  }
0x41: {  	[tilespmem:s17+$0xB0] =	vst v1  }
0x42: {  	[tilespmem:s17+$0xC0] =	vst v1  }
0x43: {  	[tilespmem:s17+$0xD0] =	vst v1  }
0x44: {  	[tilespmem:s17+$0xE0] =	vst v1;
	s31 =	sadd.s32 $0x0, s11  }
0x45: {  	[tilespmem:s3], [sflag:$0x1] =	stream.linear.gather [hbm4b:s31+s3], $0x80, $0x38;
	[tilespmem:$0x17C80] =	vst v63  }
0x46: {  	_ =	swait.ge [sflag:s13], $0x80  }
0x47: {  	[sflag:s13] =	ssyncset.done $0x0  }
0x48: {  	[sflag:s13] =	ssyncadd.s32 $0xFFFFFF80  }
0x49: {  	[spmem:s2] =	stream.indirect.scatter.add.f32 [tilespmem:s12], [sflag:$0x1], $0x80, s3, s12, $0xb8;
	[tilespmem:$0x17C80] =	vst v63  }
0x4a: {  	_ =	swait.ge [sflag:s13], $0x4000  }
0x4b: {  	s17 =	simm.s32 $0x10;
	s18 =	simm.s32 $0x20;
	[sflag:s13] =	ssyncset.done $0x0  }
.LBB2_6:
0x4c: {  	s19 =	sadd.s32 s17, s11  }
0x4d: {  	[sflag:s13] =	ssyncadd.s32 $0xFFFFC000;
	s17 =	smov.u32 s18;
	s20 =	sadd.s32 $0x10, s18  }
0x4e: {  	[tilespmem:s3], [sflag:$0x1] =	stream.linear.gather [hbm4b:s19+s3], $0x80, $0x38;
	[tilespmem:$0x17C80] =	vst v63  }
0x4f: {  	p0 =	sne.s32 s18, $0x4F0;
	_ =	swait.ge [sflag:s13], $0x80  }
.Ltmp2:
0x50: {  	[sflag:s13] =	ssyncset.done $0x0;
	(pc) =	sbr.rel @p0 .LBB2_6-.Ltmp2, $4  }
0x51: {  	[sflag:s13] =	ssyncadd.s32 $0xFFFFFF80  }
0x52: {  	[spmem:s2] =	stream.indirect.scatter.add.f32 [tilespmem:s12], [sflag:$0x1], $0x80, s3, s12, $0xb8;
	[tilespmem:$0x17C80] =	vst v63  }
0x53: {  	_ =	swait.ge [sflag:s13], $0x4000  }
0x54: {  	s18 =	smov.u32 s20;
	[sflag:s13] =	ssyncset.done $0x0  }
0x55: {  	s17 =	sadd.s32 s17, s11;
	[sflag:s13] =	ssyncadd.s32 $0xFFFFC000  }
0x56: {  	[tilespmem:s3], [sflag:$0x1] =	stream.linear.gather [hbm4b:s17+s3], $0x80, $0x38;
	[tilespmem:$0x17C80] =	vst v63  }
0x57: {  	_ =	swait.ge [sflag:s13], $0x80  }
0x58: {  	[sflag:s13] =	ssyncset.done $0x0  }
0x59: {  	[sflag:s13] =	ssyncadd.s32 $0xFFFFFF80  }
0x5a: {  	[spmem:s2] =	stream.indirect.scatter.add.f32 [tilespmem:s12], [sflag:$0x1], $0x80, s3, s12, $0xb8;
	[tilespmem:$0x17C80] =	vst v63  }
0x5b: {  	_ =	swait.ge [sflag:s13], $0x4000  }
0x5c: {  	s16 =	sadd.s32 $0x1, s16;
	[sflag:s13] =	ssyncset.done $0x0  }
0x5d: {  	p0 =	sne.s32 s16, s10;
	[sflag:s13] =	ssyncadd.s32 $0xFFFFC000  }
.Ltmp3:
0x5e: {  	[bflag:$0x0] =	sbarrier.arrive $0xFFFF;
	(pc) =	sbr.rel @p0 .LBB2_1-.Ltmp3, $4  }
0x5f: {  	[hbm:s9], [sflag:s14] =	dma.local [spmem:s15], $0x2780  }
0x60: {  	_ =	swait.ge [sflag:s13], $0x2780  }
0x61: {  	[sflag:s13] =	ssyncset.done $0x0  }
0x62: {  	[sflag:s13] =	ssyncadd.s32 $0xFFFFD880  }
0x63: {  	_ =	sfence.sel $0x180000  }
0x64: {  	[bflag:$0x0] =	sbarrier.arrive $0xFFFF  }
0x65: {  	p0 =	sne.s32 s0, $0x0;
	_ =	strace $0x9000004A  }
0x66: {  	s0 =	sadd.s32 @!p0 $0x100000, s1;
	[bflag:$0x2] =	sbarrier.arrive $0xFFFF  }
0x67: {  	[sflag:s0] =	ssyncadd.tile.s32 @!p0 $0x1;
	_ =	shalt  }
.Lfunc_end2:
_tile_overlayer_lowered:
.L_overlay_start_2:
0x68: {  	(tag) =	ssettag $0x2  }
0x69: {  	s0 =	rddreg [dreg:$0x0];
	s2 =	stileid.u32  }
0x6a: {  	s1 =	rddreg [dreg:$0x1];
	p0 =	sne.s32 s2, $0x0  }
0x6b: {  	s3 =	rddreg [dreg:$0x2];
	[bflag:$0x3] =	sbarrier.arrive $0xFFFF;
	s2 =	simm.s32 @!p0 $0x1C01  }
0x6c: {  	[timem:s3], [sflag:s2] =	dma.local @!p0 [hbm:s0], s1  }
0x6d: {  	s0 =	simm.s32 @!p0 $0x1  }
0x6e: {  	_ =	swait.ge @!p0 [sflag:s0], s1  }
0x6f: {  	s1 =	ssub.s32 @!p0 $0x0, s1;
	[sflag:s0] =	ssyncset.done @!p0 $0x0  }
0x70: {  	[sflag:s0] =	ssyncadd.s32 @!p0 s1  }
0x71: {  	[bflag:$0x3] =	sbarrier.arrive $0xFFFF  }
0x72: {  	_ =	shalt  }

</sc_bundles>
